<compile_context>
chip_gen: v7x
topology: tpu7x:2x2x1
jax: 0.10.2.dev20260603
libtpu: 0.0.44.dev20260713+nightly
codegen_flags: <defaults>
</compile_context>

<pallas_src>
import functools

import jax
import jax.numpy as jnp
from jax import lax
from jax.experimental import pallas as pl
from jax.experimental.pallas import tpu as pltpu
from jax.experimental.pallas import tpu_sc as plsc

N = 50000
E = 800000
H = 64

NP = 50176
EPAD = 819200
EROWS = EPAD // 128

NC = 2
NS = 16



G_DEG = EROWS // (NC * NS)
ZR = NP // NS


def _deg_body(dst2d, out0, out1, idxb, onesb, zbuf, hist, dsem):
    cid = lax.axis_index("c")
    sid = lax.axis_index("s")
    wid = sid * NC + cid

    ones16 = jnp.ones((16,), jnp.float32)
    for k in range(128 // 16):
        onesb[pl.ds(k * 16, 16)] = ones16

    zeros16 = jnp.zeros((16,), jnp.float32)

    def _z(i, _):
        zbuf[pl.ds(i * 16, 16)] = zeros16
        return 0

    lax.fori_loop(0, ZR // 16, _z, 0)
    pltpu.sync_copy(zbuf, hist.at[pl.ds(sid * ZR, ZR)])

    pltpu.sync_copy(dst2d.at[pl.ds(wid * G_DEG, G_DEG)], idxb)
    plsc.subcore_barrier()

    KB = 8

    def _scatter(g, _):
        for k in range(KB):
            pltpu.async_copy(onesb, hist.at[idxb.at[g * KB + k]], dsem, add=True)
        for k in range(KB):
            pltpu.make_async_copy(onesb, hist.at[idxb.at[g * KB + k]], dsem).wait()
        return 0

    lax.fori_loop(0, G_DEG // KB, _scatter, 0)
    plsc.subcore_barrier()

    pltpu.sync_copy(hist.at[pl.ds(sid * ZR, ZR)], zbuf)

    @pl.when(cid == 0)
    def _():
        pltpu.sync_copy(zbuf, out0.at[pl.ds(sid * ZR, ZR)])

    @pl.when(cid == 1)
    def _():
        pltpu.sync_copy(zbuf, out1.at[pl.ds(sid * ZR, ZR)])


def _degree_histogram(dst2d):
    mesh = plsc.VectorSubcoreMesh(core_axis_name="c", subcore_axis_name="s")
    return pl.kernel(
        _deg_body,
        out_type=(jax.ShapeDtypeStruct((NP,), jnp.float32),
                  jax.ShapeDtypeStruct((NP,), jnp.float32)),
        mesh=mesh,
        scratch_types=[
            pltpu.VMEM((G_DEG, 128), jnp.int32),
            pltpu.VMEM((128,), jnp.float32),
            pltpu.VMEM((ZR,), jnp.float32),
            pltpu.VMEM_SHARED((NP,), jnp.float32),
            pltpu.SemaphoreType.DMA,
        ],
    )(dst2d)



K_CH = EROWS // NS
G_STG = 40
N_STG = K_CH // G_STG
ZCH = 112
WCH = 64


def _gs_stage(u_ref, acc, sidx, didx, rows, gsem0, gsem1, ssem0, ssem1):
    gsems = (gsem0, gsem1)
    ssems = (ssem0, ssem1)

    def _gstart(j, b):
        return pltpu.async_copy(u_ref.at[sidx.at[j]], rows.at[b], gsems[b])

    def _gwait(j, b):
        pltpu.make_async_copy(u_ref.at[sidx.at[j]], rows.at[b], gsems[b]).wait()

    def _sstart(j, b):
        return pltpu.async_copy(rows.at[b], acc.at[didx.at[j]], ssems[b],
                                add=True)

    def _swait(j, b):
        pltpu.make_async_copy(rows.at[b], acc.at[didx.at[j]], ssems[b]).wait()

    _gstart(0, 0)

    def _body(i, _):
        for b in (0, 1):
            j = i * 2 + b
            nb = 1 - b
            _gwait(j, b)
            _sstart(j, b)

            @pl.when(j - 1 >= 0)
            def _():
                _swait(j - 1, nb)

            @pl.when(j + 1 < G_STG)
            def _():
                _gstart(j + 1, nb)
        return 0

    lax.fori_loop(0, G_STG // 2, _body, 0)
    _swait(G_STG - 1, (G_STG - 1) % 2)


def _scatter_body(u0, u1, src2d, dst2d, out0, out1, sidx, didx, rows,
                  acc, gsem0, gsem1, ssem0, ssem1):
    cid = lax.axis_index("c")
    sid = lax.axis_index("s")

    zeros16 = jnp.zeros((16,), jnp.float32)

    def _z(i, _):
        rows[0, i, pl.ds(0, 16)] = zeros16
        rows[0, i, pl.ds(16, 16)] = zeros16
        return 0

    lax.fori_loop(0, 128, _z, 0)
    zsrc = rows.at[0].at[pl.ds(0, ZCH)]

    def _zdma(k, _):
        pltpu.sync_copy(zsrc, acc.at[pl.ds(sid * ZR + k * ZCH, ZCH)])
        return 0

    lax.fori_loop(0, ZR // ZCH, _zdma, 0)
    plsc.subcore_barrier()

    def _stage(s, _):
        pltpu.sync_copy(src2d.at[pl.ds(sid * K_CH + s * G_STG, G_STG)], sidx)
        pltpu.sync_copy(dst2d.at[pl.ds(sid * K_CH + s * G_STG, G_STG)], didx)

        @pl.when(cid == 0)
        def _():
            _gs_stage(u0, acc, sidx, didx, rows, gsem0, gsem1, ssem0, ssem1)

        @pl.when(cid == 1)
        def _():
            _gs_stage(u1, acc, sidx, didx, rows, gsem0, gsem1, ssem0, ssem1)

        return 0

    lax.fori_loop(0, N_STG, _stage, 0)
    plsc.subcore_barrier()

    wbuf = rows.at[1].at[pl.ds(0, WCH)]

    def _wout(t, _):
        r0 = sid * ZR + t * WCH
        pltpu.sync_copy(acc.at[pl.ds(r0, WCH)], wbuf)

        @pl.when(cid == 0)
        def _():
            pltpu.sync_copy(wbuf, out0.at[pl.ds(r0, WCH)])

        @pl.when(cid == 1)
        def _():
            pltpu.sync_copy(wbuf, out1.at[pl.ds(r0, WCH)])

        return 0

    lax.fori_loop(0, ZR // WCH, _wout, 0)


def _edge_scatter(u0, u1, src2d, dst2d):
    mesh = plsc.VectorSubcoreMesh(core_axis_name="c", subcore_axis_name="s")
    return pl.kernel(
        _scatter_body,
        out_type=(jax.ShapeDtypeStruct((NP, 32), jnp.float32),
                  jax.ShapeDtypeStruct((NP, 32), jnp.float32)),
        mesh=mesh,
        scratch_types=[
            pltpu.VMEM((G_STG, 128), jnp.int32),
            pltpu.VMEM((G_STG, 128), jnp.int32),
            pltpu.VMEM((2, 128, 32), jnp.float32),
            pltpu.VMEM_SHARED((NP, 32), jnp.float32),
            pltpu.SemaphoreType.DMA,
            pltpu.SemaphoreType.DMA,
            pltpu.SemaphoreType.DMA,
            pltpu.SemaphoreType.DMA,
        ],
        compiler_params=pltpu.CompilerParams(use_tc_tiling_on_sc=False),
    )(u0, u1, src2d, dst2d)



BR = 1568
GRID = NP // BR


def _dense_body(x_ref, emb_ref, d0_ref, d1_ref, wpt_ref, bp_ref, wgt_ref,
                u0_ref, u1_ref, dis_ref):
    deg = d0_ref[...] + d1_ref[...] + 1.0
    dis = lax.rsqrt(deg)
    h = emb_ref[...] + jnp.dot(x_ref[...], wpt_ref[...],
                               preferred_element_type=jnp.float32) + bp_ref[...]
    hW = jnp.dot(h, wgt_ref[...], preferred_element_type=jnp.float32)
    u = hW * dis
    u0_ref[...] = u[:, :32]
    u1_ref[...] = u[:, 32:]
    dis_ref[...] = dis


def _dense_prepass(x_pad, emb_pad, deg0, deg1, WpT, bp2, WgT):
    bs = lambda cols: pl.BlockSpec((BR, cols), lambda i: (i, 0))
    full = lambda r, c: pl.BlockSpec((r, c), lambda i: (0, 0))
    return pl.pallas_call(
        _dense_body,
        grid=(GRID,),
        in_specs=[bs(2), bs(64), bs(1), bs(1), full(2, 64), full(1, 64),
                  full(64, 64)],
        out_specs=[bs(32), bs(32), bs(1)],
        out_shape=[jax.ShapeDtypeStruct((NP, 32), jnp.float32),
                   jax.ShapeDtypeStruct((NP, 32), jnp.float32),
                   jax.ShapeDtypeStruct((NP, 1), jnp.float32)],
    )(x_pad, emb_pad, deg0.reshape(NP, 1), deg1.reshape(NP, 1), WpT, bp2, WgT)



def _final_body(a0_ref, a1_ref, u0_ref, u1_ref, dis_ref, x_ref, m_ref,
                bg_ref, wd_ref, wa_ref, sc_ref, tgt_ref,
                prob_ref, gap_ref, vacc, sacc):
    i = pl.program_id(0)

    @pl.when(i == 0)
    def _():
        vacc[...] = jnp.zeros_like(vacc)
        sacc[0] = 0.0
        sacc[1] = 0.0

    acc = jnp.concatenate([a0_ref[...], a1_ref[...]], axis=1)
    u = jnp.concatenate([u0_ref[...], u1_ref[...]], axis=1)
    z = jax.nn.relu(dis_ref[...] * (acc + u) + bg_ref[...])

    rows = i * BR + lax.broadcasted_iota(jnp.int32, (BR, 1), 0)
    tsel = (rows == tgt_ref[0]).astype(jnp.float32)
    score = x_ref[:, 1:2]

    vacc[0:1, :] = vacc[0:1, :] + jnp.sum(z * tsel, axis=0, keepdims=True)
    vacc[1:2, :] = vacc[1:2, :] + jnp.sum(z * score, axis=0, keepdims=True)
    sacc[0] = sacc[0] + jnp.sum(x_ref[:, 0])
    sacc[1] = sacc[1] + jnp.sum(jax.nn.softplus(z) * m_ref[...])

    @pl.when(i == pl.num_programs(0) - 1)
    def _():
        difficulty = jnp.sum(vacc[0:1, :] * wd_ref[...]) + sc_ref[0]
        n_learned = jnp.maximum(sacc[0], 1.0)
        ability = jnp.sum((vacc[1:2, :] / n_learned) * wa_ref[...]) + sc_ref[1]
        prereq = jnp.abs(sc_ref[2]) * (sacc[1] / 64.0)
        gap = ability - difficulty + prereq
        ones11 = jnp.ones((1, 1), jnp.float32)
        gap_ref[...] = gap * ones11
        prob_ref[...] = jax.nn.sigmoid(gap) * ones11


def _final_pass(a0, a1, u0, u1, dis, x_pad, mask_pad, bg2, Wd, Wa, scalars,
                tgt):
    bs = lambda cols: pl.BlockSpec((BR, cols), lambda i: (i, 0))
    full = lambda r, c: pl.BlockSpec((r, c), lambda i: (0, 0))
    return pl.pallas_call(
        _final_body,
        grid=(GRID,),
        in_specs=[bs(32), bs(32), bs(32), bs(32), bs(1), bs(2), bs(1),
                  full(1, 64), full(1, 64), full(1, 64),
                  pl.BlockSpec(memory_space=pltpu.SMEM),
                  pl.BlockSpec(memory_space=pltpu.SMEM)],
        out_specs=[full(1, 1), full(1, 1)],
        out_shape=[jax.ShapeDtypeStruct((1, 1), jnp.float32),
                   jax.ShapeDtypeStruct((1, 1), jnp.float32)],
        scratch_shapes=[pltpu.VMEM((2, 64), jnp.float32),
                        pltpu.SMEM((2,), jnp.float32)],
    )(a0, a1, u0, u1, dis, x_pad, mask_pad, bg2, Wd, Wa, scalars, tgt)



def kernel(x, edge_index, target_node, current_prereq_mask, node_emb,
           Wp, bp, Wg, bg, Wd, bd, Wa, ba, prereq_weight):
    src = edge_index[0]
    dst = edge_index[1]
    pad = EPAD - E
    trash = (N + (jnp.arange(pad, dtype=jnp.int32) % (NP - N))).astype(jnp.int32)
    src2d = jnp.concatenate([src, trash]).reshape(EROWS, 128)
    dst2d = jnp.concatenate([dst, trash]).reshape(EROWS, 128)

    pad2 = lambda a: jnp.pad(a, ((0, NP - N), (0, 0)))
    x_pad = pad2(x)
    emb_pad = pad2(node_emb)
    mask_pad = pad2(current_prereq_mask[:, None])

    deg0, deg1 = _degree_histogram(dst2d)

    u0, u1, dis = _dense_prepass(x_pad, emb_pad, deg0, deg1, Wp.T,
                                 bp.reshape(1, 64), Wg.T)

    a0, a1 = _edge_scatter(u0, u1, src2d, dst2d)

    scalars = jnp.stack([bd[0], ba[0], prereq_weight[0]])
    tgt = jnp.asarray(target_node, jnp.int32).reshape(1)
    prob2, gap2 = _final_pass(a0, a1, u0, u1, dis, x_pad, mask_pad,
                              bg.reshape(1, 64), Wd, Wa, scalars, tgt)
    return (prob2[0, 0], gap2[0, 0])

# --- scband reference (transcript-rebuilt; emitter-appended) ---
"""Pipeline reference for scband-monotonic-oracle-66168266162602 (READ-ONLY COPY).

The authoritative reference and input builder live on the scoring server;
editing this copy changes nothing except your own understanding.
"""

import jax, jax.numpy as jnp
import numpy as np

N = 50000
E = 800000
H = 64

def setup_inputs(seed: int = 0) -> dict:
    key = jax.random.key(seed)
    ks = jax.random.split(key, 8)
    x = jax.random.uniform(ks[0], (N, 2), dtype=jnp.float32)
    edge_index = jax.random.randint(ks[1], (2, E), 0, N, dtype=jnp.int32)
    current_prereq_mask = jnp.ones((N,), dtype=jnp.float32)
    node_emb = jax.random.normal(ks[2], (N, H), dtype=jnp.float32) * 0.02
    Wp = jax.random.normal(ks[3], (H, 2), dtype=jnp.float32) * 0.5
    bp = jnp.zeros((H,), dtype=jnp.float32)
    Wg = jax.random.normal(ks[4], (H, H), dtype=jnp.float32) * (1.0 / np.sqrt(H))
    bg = jnp.zeros((H,), dtype=jnp.float32)
    Wd = jax.random.normal(ks[5], (1, H), dtype=jnp.float32) * 0.1
    bd = jnp.zeros((1,), dtype=jnp.float32)
    Wa = jax.random.normal(ks[6], (1, H), dtype=jnp.float32) * 0.1
    ba = jnp.zeros((1,), dtype=jnp.float32)
    prereq_weight = jnp.ones((1,), dtype=jnp.float32)
    return {"x": x, "edge_index": edge_index, "target_node": 123,
            "current_prereq_mask": current_prereq_mask, "node_emb": node_emb,
            "Wp": Wp, "bp": bp, "Wg": Wg, "bg": bg, "Wd": Wd, "bd": bd,
            "Wa": Wa, "ba": ba, "prereq_weight": prereq_weight}

def gcn_conv(h, edge_index, Wg, bg):
    # PyG GCNConv: add self-loops, symmetric normalization, linear, scatter-add, bias
    hW = h @ Wg.T
    loop = jnp.arange(N, dtype=edge_index.dtype)
    src = jnp.concatenate([edge_index[0], loop])
    dst = jnp.concatenate([edge_index[1], loop])
    deg = jnp.zeros((N,), dtype=h.dtype).at[dst].add(1.0)
    dis = jnp.where(deg > 0, 1.0 / jnp.sqrt(deg), 0.0)
    norm = dis[src] * dis[dst]
    msgs = hW[src] * norm[:, None]
    out = jnp.zeros((N, H), dtype=h.dtype).at[dst].add(msgs)
    return out + bg

def reference(x, edge_index, target_node, current_prereq_mask, node_emb, Wp, bp, Wg, bg, Wd, bd, Wa, ba, prereq_weight):
    h = node_emb + x @ Wp.T + bp  # dropout disabled (p=0 / eval)
    z = jax.nn.relu(gcn_conv(h, edge_index, Wg, bg))
    target_emb = z[target_node]
    difficulty = (target_emb @ Wd.T + bd).squeeze(-1)
    scores = x[:, 1]
    n_learned = jnp.clip(x[:, 0].sum(), 1.0, None)
    weighted_z = (z * scores[:, None]).sum(axis=0) / n_learned
    ability = (weighted_z @ Wa.T + ba).squeeze(-1)
    z_pos = jax.nn.softplus(z)
    masked_z = z_pos * current_prereq_mask[:, None]
    prereq_agg = masked_z.sum(axis=0).mean()
    prereq_strength = jnp.abs(prereq_weight).squeeze() * prereq_agg
    gap = ability - difficulty + prereq_strength
    prob = jax.nn.sigmoid(gap)
    return (prob, gap)

if __name__ == "__main__":
    import jax
    _d = setup_inputs()
    print(jax.jit(kernel)(*tuple(_d.values())))

</pallas_src>

<mosaic_0001>
#map = affine_map<(d0, d1) -> (0, 0)>
module attributes {stable_mosaic.version = 14 : i64} {
  func.func @_scatter_body(%arg0: i32, %arg1: i32, %arg2: memref<50176x32xf32, #tpu.memory_space<hbm>>, %arg3: memref<50176x32xf32, #tpu.memory_space<hbm>>, %arg4: memref<6400x128xi32, #tpu.memory_space<hbm>>, %arg5: memref<6400x128xi32, #tpu.memory_space<hbm>>, %arg6: memref<50176x32xf32, #tpu.memory_space<hbm>>, %arg7: memref<50176x32xf32, #tpu.memory_space<hbm>>, %arg8: memref<40x128xi32, #tpu.memory_space<vmem>>, %arg9: memref<40x128xi32, #tpu.memory_space<vmem>>, %arg10: memref<2x128x32xf32, #tpu.memory_space<vmem>>, %arg11: memref<50176x32xf32, #tpu.memory_space<vmem_shared>>, %arg12: memref<!tpu.dma_semaphore, #tpu.memory_space<semaphore_mem>>, %arg13: memref<!tpu.dma_semaphore, #tpu.memory_space<semaphore_mem>>, %arg14: memref<!tpu.dma_semaphore, #tpu.memory_space<semaphore_mem>>, %arg15: memref<!tpu.dma_semaphore, #tpu.memory_space<semaphore_mem>>) attributes {dimension_semantics = [#tpu.dimension_semantics<core_parallel>, #tpu.dimension_semantics<subcore_parallel>], iteration_bounds = array<i64: 2, 16>, scalar_prefetch = 0 : i64, scratch_operands = 8 : i64, tpu.core_type = #tpu.core_type<sc_vector_subcore>, window_params = [{transform_indices = #map}, {transform_indices = #map}, {transform_indices = #map}, {transform_indices = #map}, {transform_indices = #map}, {transform_indices = #map}]} {
    %broadcast_in_dim3A = arith.constant 0.000000e+00 : f32
    %broadcast_in_dim3A_0 = vector.broadcast %broadcast_in_dim3A : f32 to vector<16xf32>
    %scan3A = arith.constant 0 : i32
    %scan3A_1 = arith.constant 0 : i32
    %scan3A_2 = arith.constant 128 : i32
    %scan3A_3 = arith.addi %scan3A_1, %scan3A_2 : i32
    %scan3A_4 = arith.constant 1 : i32
    %scan3A_5 = scf.for %scan3A_31 = %scan3A_1 to %scan3A_3 step %scan3A_4 iter_args(%scan3A_32 = %scan3A) -> (i32)  : i32 {
      %swap3A = arith.constant 0 : i32
      %swap3A_33 = arith.index_cast %swap3A : i32 to index
      %swap3A_34 = arith.index_cast %scan3A_31 : i32 to index
      %swap3A_35 = arith.constant 0 : index
      %swap3A_36 = tpu.vector_load %arg10[%swap3A_33, %swap3A_34, %swap3A_35] {strides = array<i32>} : memref<2x128x32xf32, #tpu.memory_space<vmem>>, vector<1x1x16xf32>,
      %swap3A_37 = vector.shape_cast %swap3A_36 : vector<1x1x16xf32> to vector<16xf32>
      %swap3A_38 = vector.shape_cast %broadcast_in_dim3A_0 : vector<16xf32> to vector<1x1x16xf32>
      tpu.vector_store %arg10[%swap3A_33, %swap3A_34, %swap3A_35], %swap3A_38 {strides = array<i32>} : memref<2x128x32xf32, #tpu.memory_space<vmem>>, vector<1x1x16xf32>,
      %swap3A_39 = arith.constant 0 : i32
      %swap3A_40 = arith.index_cast %swap3A_39 : i32 to index
      %swap3A_41 = arith.index_cast %scan3A_31 : i32 to index
      %swap3A_42 = arith.constant 16 : index
      %swap3A_43 = tpu.vector_load %arg10[%swap3A_40, %swap3A_41, %swap3A_42] {strides = array<i32>} : memref<2x128x32xf32, #tpu.memory_space<vmem>>, vector<1x1x16xf32>,
      %swap3A_44 = vector.shape_cast %swap3A_43 : vector<1x1x16xf32> to vector<16xf32>
      %swap3A_45 = vector.shape_cast %broadcast_in_dim3A_0 : vector<16xf32> to vector<1x1x16xf32>
      tpu.vector_store %arg10[%swap3A_40, %swap3A_41, %swap3A_42], %swap3A_45 {strides = array<i32>} : memref<2x128x32xf32, #tpu.memory_space<vmem>>, vector<1x1x16xf32>,
      %scan3A_46 = arith.constant 0 : i32
      scf.yield %scan3A_46 : i32
    }
    %scan3A_6 = arith.constant 128 : i32
    %scan3A_7 = arith.constant 0 : i32
    %scan3A_8 = arith.constant 0 : i32
    %scan3A_9 = arith.constant 0 : i32
    %scan3A_10 = arith.constant 28 : i32
    %scan3A_11 = arith.addi %scan3A_9, %scan3A_10 : i32
    %scan3A_12 = arith.constant 1 : i32
    %scan3A_13 = scf.for %scan3A_31 = %scan3A_9 to %scan3A_11 step %scan3A_12 iter_args(%scan3A_32 = %scan3A_8) -> (i32)  : i32 {
      %mul3A = arith.constant 3136 : i32
      %mul3A_33 = arith.muli %arg1, %mul3A : i32
      %mul3A_34 = arith.constant 112 : i32
      %mul3A_35 = arith.muli %scan3A_31, %mul3A_34 : i32
      %add3A = arith.addi %mul3A_33, %mul3A_35 : i32
      "tpu.region"() ({
        %run_scoped3A = tpu.sem_alloc : memref<!tpu.dma_semaphore, #tpu.memory_space<semaphore_mem>>
        %dma_start3A = arith.constant 0 : i32
        %dma_start3A_37 = arith.constant 0 : i32
        %dma_start3A_38 = tpu.memref_slice %arg10[%scan3A_7, %dma_start3A, %dma_start3A_37] : memref<2x128x32xf32, #tpu.memory_space<vmem>> -> memref<1x128x32xf32, #tpu.memory_space<vmem>>
        %dma_start3A_39 = tpu.memref_squeeze %dma_start3A_38 : memref<1x128x32xf32, #tpu.memory_space<vmem>> -> memref<128x32xf32, #tpu.memory_space<vmem>>
        %dma_start3A_40 = arith.constant 0 : i32
        %dma_start3A_41 = arith.constant 0 : i32
        %dma_start3A_42 = tpu.memref_slice %dma_start3A_39[%dma_start3A_40, %dma_start3A_41] : memref<128x32xf32, #tpu.memory_space<vmem>> -> memref<112x32xf32, #tpu.memory_space<vmem>>
        %dma_start3A_43 = arith.constant 0 : i32
        %dma_start3A_44 = tpu.memref_slice %arg11[%add3A, %dma_start3A_43] : memref<50176x32xf32, #tpu.memory_space<vmem_shared>> -> memref<112x32xf32, #tpu.memory_space<vmem_shared>>
        %dma_start3A_45 = arith.constant 0 : i32
        %dma_start3A_46 = tpu.memref_slice %arg11[%add3A, %dma_start3A_45] : memref<50176x32xf32, #tpu.memory_space<vmem_shared>> -> memref<112x32xf32, #tpu.memory_space<vmem_shared>>
        %dma_start3A_47 = arith.constant 0 : i32
        %dma_start3A_48 = arith.constant 0 : i32
        %dma_start3A_49 = tpu.memref_slice %arg10[%scan3A_7, %dma_start3A_47, %dma_start3A_48] : memref<2x128x32xf32, #tpu.memory_space<vmem>> -> memref<1x128x32xf32, #tpu.memory_space<vmem>>
        %dma_start3A_50 = tpu.memref_squeeze %dma_start3A_49 : memref<1x128x32xf32, #tpu.memory_space<vmem>> -> memref<128x32xf32, #tpu.memory_space<vmem>>
        %dma_start3A_51 = arith.constant 0 : i32
        %dma_start3A_52 = arith.constant 0 : i32
        %dma_start3A_53 = tpu.memref_slice %dma_start3A_50[%dma_start3A_51, %dma_start3A_52] : memref<128x32xf32, #tpu.memory_space<vmem>> -> memref<112x32xf32, #tpu.memory_space<vmem>>
        tpu.enqueue_dma source(%dma_start3A_53 : memref<112x32xf32, #tpu.memory_space<vmem>>) target(%dma_start3A_46 : memref<112x32xf32, #tpu.memory_space<vmem_shared>>) target_semaphore(%run_scoped3A : memref<!tpu.dma_semaphore, #tpu.memory_space<semaphore_mem>>)
        %dma_wait3A = arith.constant 0 : i32
        %dma_wait3A_54 = arith.constant 0 : i32
        %dma_wait3A_55 = tpu.memref_slice %arg10[%scan3A_7, %dma_wait3A, %dma_wait3A_54] : memref<2x128x32xf32, #tpu.memory_space<vmem>> -> memref<1x128x32xf32, #tpu.memory_space<vmem>>
        %dma_wait3A_56 = tpu.memref_squeeze %dma_wait3A_55 : memref<1x128x32xf32, #tpu.memory_space<vmem>> -> memref<128x32xf32, #tpu.memory_space<vmem>>
        %dma_wait3A_57 = arith.constant 0 : i32
        %dma_wait3A_58 = arith.constant 0 : i32
        %dma_wait3A_59 = tpu.memref_slice %dma_wait3A_56[%dma_wait3A_57, %dma_wait3A_58] : memref<128x32xf32, #tpu.memory_space<vmem>> -> memref<112x32xf32, #tpu.memory_space<vmem>>
        %dma_wait3A_60 = arith.constant 0 : i32
        %dma_wait3A_61 = tpu.memref_slice %arg11[%add3A, %dma_wait3A_60] : memref<50176x32xf32, #tpu.memory_space<vmem_shared>> -> memref<112x32xf32, #tpu.memory_space<vmem_shared>>
        %dma_wait3A_62 = arith.constant 0 : i32
        %dma_wait3A_63 = tpu.memref_slice %arg11[%add3A, %dma_wait3A_62] : memref<50176x32xf32, #tpu.memory_space<vmem_shared>> -> memref<112x32xf32, #tpu.memory_space<vmem_shared>>
        %dma_wait3A_64 = arith.constant 0 : i32
        %dma_wait3A_65 = arith.constant 0 : i32
        %dma_wait3A_66 = tpu.memref_slice %arg10[%scan3A_7, %dma_wait3A_64, %dma_wait3A_65] : memref<2x128x32xf32, #tpu.memory_space<vmem>> -> memref<1x128x32xf32, #tpu.memory_space<vmem>>
        %dma_wait3A_67 = tpu.memref_squeeze %dma_wait3A_66 : memref<1x128x32xf32, #tpu.memory_space<vmem>> -> memref<128x32xf32, #tpu.memory_space<vmem>>
        %dma_wait3A_68 = arith.constant 0 : i32
        %dma_wait3A_69 = arith.constant 0 : i32
        %dma_wait3A_70 = tpu.memref_slice %dma_wait3A_67[%dma_wait3A_68, %dma_wait3A_69] : memref<128x32xf32, #tpu.memory_space<vmem>> -> memref<112x32xf32, #tpu.memory_space<vmem>>
        tpu.wait_dma2 semaphore(%run_scoped3A : memref<!tpu.dma_semaphore, #tpu.memory_space<semaphore_mem>>) src(%dma_wait3A_70 : memref<112x32xf32, #tpu.memory_space<vmem>>) dst(%dma_wait3A_63 : memref<112x32xf32, #tpu.memory_space<vmem_shared>>)
        tpu.yield
      }) : () -> ()
      %scan3A_36 = arith.constant 0 : i32
      scf.yield %scan3A_36 : i32
    }
    %scan3A_14 = arith.constant 28 : i32
    %barrier3A = arith.constant 0 : index
    tpu.barrier barrier_id(%barrier3A)
    %scan3A_15 = arith.constant 0 : i32
    %scan3A_16 = arith.constant 0 : i32
    %scan3A_17 = arith.constant 10 : i32
    %scan3A_18 = arith.addi %scan3A_16, %scan3A_17 : i32
    %scan3A_19 = arith.constant 1 : i32
    %scan3A_20 = scf.for %scan3A_31 = %scan3A_16 to %scan3A_18 step %scan3A_19 iter_args(%scan3A_32 = %scan3A_15) -> (i32)  : i32 {
      %mul3A = arith.constant 400 : i32
      %mul3A_33 = arith.muli %arg1, %mul3A : i32
      %mul3A_34 = arith.constant 40 : i32
      %mul3A_35 = arith.muli %scan3A_31, %mul3A_34 : i32
      %add3A = arith.addi %mul3A_33, %mul3A_35 : i32
      "tpu.region"() ({
        %run_scoped3A = tpu.sem_alloc : memref<!tpu.dma_semaphore, #tpu.memory_space<semaphore_mem>>
        %dma_start3A = arith.constant 0 : i32
        %dma_start3A_49 = tpu.memref_slice %arg4[%add3A, %dma_start3A] : memref<6400x128xi32, #tpu.memory_space<hbm>> -> memref<40x128xi32, #tpu.memory_space<hbm>>
        %dma_start3A_50 = arith.constant 0 : i32
        %dma_start3A_51 = tpu.memref_slice %arg4[%add3A, %dma_start3A_50] : memref<6400x128xi32, #tpu.memory_space<hbm>> -> memref<40x128xi32, #tpu.memory_space<hbm>>
        tpu.enqueue_dma source(%dma_start3A_51 : memref<40x128xi32, #tpu.memory_space<hbm>>) target(%arg8 : memref<40x128xi32, #tpu.memory_space<vmem>>) target_semaphore(%run_scoped3A : memref<!tpu.dma_semaphore, #tpu.memory_space<semaphore_mem>>)
        %dma_wait3A = arith.constant 0 : i32
        %dma_wait3A_52 = tpu.memref_slice %arg4[%add3A, %dma_wait3A] : memref<6400x128xi32, #tpu.memory_space<hbm>> -> memref<40x128xi32, #tpu.memory_space<hbm>>
        %dma_wait3A_53 = arith.constant 0 : i32
        %dma_wait3A_54 = tpu.memref_slice %arg4[%add3A, %dma_wait3A_53] : memref<6400x128xi32, #tpu.memory_space<hbm>> -> memref<40x128xi32, #tpu.memory_space<hbm>>
        tpu.wait_dma2 semaphore(%run_scoped3A : memref<!tpu.dma_semaphore, #tpu.memory_space<semaphore_mem>>) src(%dma_wait3A_54 : memref<40x128xi32, #tpu.memory_space<hbm>>) dst(%arg8 : memref<40x128xi32, #tpu.memory_space<vmem>>)
        tpu.yield
      }) : () -> ()
      %mul3A_36 = arith.constant 400 : i32
      %mul3A_37 = arith.muli %arg1, %mul3A_36 : i32
      %mul3A_38 = arith.constant 40 : i32
      %mul3A_39 = arith.muli %scan3A_31, %mul3A_38 : i32
      %add3A_40 = arith.addi %mul3A_37, %mul3A_39 : i32
      "tpu.region"() ({
        %run_scoped3A = tpu.sem_alloc : memref<!tpu.dma_semaphore, #tpu.memory_space<semaphore_mem>>
        %dma_start3A = arith.constant 0 : i32
        %dma_start3A_49 = tpu.memref_slice %arg5[%add3A_40, %dma_start3A] : memref<6400x128xi32, #tpu.memory_space<hbm>> -> memref<40x128xi32, #tpu.memory_space<hbm>>
        %dma_start3A_50 = arith.constant 0 : i32
        %dma_start3A_51 = tpu.memref_slice %arg5[%add3A_40, %dma_start3A_50] : memref<6400x128xi32, #tpu.memory_space<hbm>> -> memref<40x128xi32, #tpu.memory_space<hbm>>
        tpu.enqueue_dma source(%dma_start3A_51 : memref<40x128xi32, #tpu.memory_space<hbm>>) target(%arg9 : memref<40x128xi32, #tpu.memory_space<vmem>>) target_semaphore(%run_scoped3A : memref<!tpu.dma_semaphore, #tpu.memory_space<semaphore_mem>>)
        %dma_wait3A = arith.constant 0 : i32
        %dma_wait3A_52 = tpu.memref_slice %arg5[%add3A_40, %dma_wait3A] : memref<6400x128xi32, #tpu.memory_space<hbm>> -> memref<40x128xi32, #tpu.memory_space<hbm>>
        %dma_wait3A_53 = arith.constant 0 : i32
        %dma_wait3A_54 = tpu.memref_slice %arg5[%add3A_40, %dma_wait3A_53] : memref<6400x128xi32, #tpu.memory_space<hbm>> -> memref<40x128xi32, #tpu.memory_space<hbm>>
        tpu.wait_dma2 semaphore(%run_scoped3A : memref<!tpu.dma_semaphore, #tpu.memory_space<semaphore_mem>>) src(%dma_wait3A_54 : memref<40x128xi32, #tpu.memory_space<hbm>>) dst(%arg9 : memref<40x128xi32, #tpu.memory_space<vmem>>)
        tpu.yield
      }) : () -> ()
      %eq3A = arith.constant 0 : i32
      %eq3A_41 = arith.cmpi eq, %arg0, %eq3A : i32
      %convert_element_type3A = arith.extui %eq3A_41 : i1 to i32
      %cond3A = arith.constant 0 : i32
      %cond3A_42 = arith.cmpi ne, %convert_element_type3A, %cond3A : i32
      scf.if %cond3A_42 {
        %dma_start3A = arith.constant 0 : i32
        %dma_start3A_49 = arith.constant 0 : i32
        %dma_start3A_50 = arith.constant 0 : i32
        %dma_start3A_51 = arith.constant 0 : i32
        %dma_start3A_52 = tpu.memref_slice %arg10[%dma_start3A_49, %dma_start3A_50, %dma_start3A_51] : memref<2x128x32xf32, #tpu.memory_space<vmem>> -> memref<1x128x32xf32, #tpu.memory_space<vmem>>
        %dma_start3A_53 = tpu.memref_squeeze %dma_start3A_52 : memref<1x128x32xf32, #tpu.memory_space<vmem>> -> memref<128x32xf32, #tpu.memory_space<vmem>>
        %dma_start3A_54 = arith.constant 0 : i32
        %dma_start3A_55 = tpu.memref_slice %arg8[%dma_start3A, %dma_start3A_54] : memref<40x128xi32, #tpu.memory_space<vmem>> -> memref<1x128xi32, #tpu.memory_space<vmem>>
        %dma_start3A_56 = tpu.memref_squeeze %dma_start3A_55 : memref<1x128xi32, #tpu.memory_space<vmem>> -> memref<128xi32, #tpu.memory_space<vmem>>
        %dma_start3A_57 = arith.constant 0 : i32
        %dma_start3A_58 = arith.constant 0 : i32
        %dma_start3A_59 = tpu.memref_slice %arg2[%dma_start3A_57, %dma_start3A_58] : memref<50176x32xf32, #tpu.memory_space<hbm>> -> memref<50176x32xf32, #tpu.memory_space<hbm>>
        tpu.enqueue_indirect_dma source(%dma_start3A_59 : memref<50176x32xf32, #tpu.memory_space<hbm>>) target(%dma_start3A_53 : memref<128x32xf32, #tpu.memory_space<vmem>>) offsets(%dma_start3A_56 : memref<128xi32, #tpu.memory_space<vmem>>) semaphore(%arg12 : memref<!tpu.dma_semaphore, #tpu.memory_space<semaphore_mem>>)
        %scan3A_60 = arith.constant 0 : i32
        %scan3A_61 = arith.constant 0 : i32
        %scan3A_62 = arith.constant 20 : i32
        %scan3A_63 = arith.addi %scan3A_61, %scan3A_62 : i32
        %scan3A_64 = arith.constant 1 : i32
        %scan3A_65 = scf.for %scan3A_78 = %scan3A_61 to %scan3A_63 step %scan3A_64 iter_args(%scan3A_79 = %scan3A_60) -> (i32)  : i32 {
          %mul3A_80 = arith.constant 2 : i32
          %mul3A_81 = arith.muli %scan3A_78, %mul3A_80 : i32
          %add3A_82 = arith.constant 0 : i32
          %add3A_83 = arith.addi %mul3A_81, %add3A_82 : i32
          %dma_wait3A_84 = arith.constant 0 : i32
          %dma_wait3A_85 = arith.constant 0 : i32
          %dma_wait3A_86 = arith.constant 0 : i32
          %dma_wait3A_87 = tpu.memref_slice %arg10[%dma_wait3A_84, %dma_wait3A_85, %dma_wait3A_86] : memref<2x128x32xf32, #tpu.memory_space<vmem>> -> memref<1x128x32xf32, #tpu.memory_space<vmem>>
          %dma_wait3A_88 = tpu.memref_squeeze %dma_wait3A_87 : memref<1x128x32xf32, #tpu.memory_space<vmem>> -> memref<128x32xf32, #tpu.memory_space<vmem>>
          %dma_wait3A_89 = arith.constant 0 : i32
          %dma_wait3A_90 = tpu.memref_slice %arg8[%add3A_83, %dma_wait3A_89] : memref<40x128xi32, #tpu.memory_space<vmem>> -> memref<1x128xi32, #tpu.memory_space<vmem>>
          %dma_wait3A_91 = tpu.memref_squeeze %dma_wait3A_90 : memref<1x128xi32, #tpu.memory_space<vmem>> -> memref<128xi32, #tpu.memory_space<vmem>>
          %dma_wait3A_92 = arith.constant 0 : i32
          %dma_wait3A_93 = arith.constant 0 : i32
          %dma_wait3A_94 = tpu.memref_slice %arg2[%dma_wait3A_92, %dma_wait3A_93] : memref<50176x32xf32, #tpu.memory_space<hbm>> -> memref<50176x32xf32, #tpu.memory_space<hbm>>
          tpu.wait_indirect_dma semaphore(%arg12 : memref<!tpu.dma_semaphore, #tpu.memory_space<semaphore_mem>>) src(%dma_wait3A_94 : memref<50176x32xf32, #tpu.memory_space<hbm>>) dst(%dma_wait3A_88 : memref<128x32xf32, #tpu.memory_space<vmem>>)
          %dma_start3A_95 = arith.constant 0 : i32
          %dma_start3A_96 = arith.constant 0 : i32
          %dma_start3A_97 = arith.constant 0 : i32
          %dma_start3A_98 = tpu.memref_slice %arg10[%dma_start3A_95, %dma_start3A_96, %dma_start3A_97] : memref<2x128x32xf32, #tpu.memory_space<vmem>> -> memref<1x128x32xf32, #tpu.memory_space<vmem>>
          %dma_start3A_99 = tpu.memref_squeeze %dma_start3A_98 : memref<1x128x32xf32, #tpu.memory_space<vmem>> -> memref<128x32xf32, #tpu.memory_space<vmem>>
          %dma_start3A_100 = arith.constant 0 : i32
          %dma_start3A_101 = tpu.memref_slice %arg9[%add3A_83, %dma_start3A_100] : memref<40x128xi32, #tpu.memory_space<vmem>> -> memref<1x128xi32, #tpu.memory_space<vmem>>
          %dma_start3A_102 = tpu.memref_squeeze %dma_start3A_101 : memref<1x128xi32, #tpu.memory_space<vmem>> -> memref<128xi32, #tpu.memory_space<vmem>>
          %dma_start3A_103 = arith.constant 0 : i32
          %dma_start3A_104 = arith.constant 0 : i32
          %dma_start3A_105 = tpu.memref_slice %arg11[%dma_start3A_103, %dma_start3A_104] : memref<50176x32xf32, #tpu.memory_space<vmem_shared>> -> memref<50176x32xf32, #tpu.memory_space<vmem_shared>>
          tpu.enqueue_indirect_dma source(%dma_start3A_99 : memref<128x32xf32, #tpu.memory_space<vmem>>) target(%dma_start3A_105 : memref<50176x32xf32, #tpu.memory_space<vmem_shared>>) offsets(%dma_start3A_102 : memref<128xi32, #tpu.memory_space<vmem>>) semaphore(%arg14 : memref<!tpu.dma_semaphore, #tpu.memory_space<semaphore_mem>>) {add = true}
          %sub3A = arith.constant 1 : i32
          %sub3A_106 = arith.subi %add3A_83, %sub3A : i32
          %ge3A = arith.constant 0 : i32
          %ge3A_107 = arith.cmpi sge, %sub3A_106, %ge3A : i32
          %convert_element_type3A_108 = arith.extui %ge3A_107 : i1 to i32
          %cond3A_109 = arith.constant 0 : i32
          %cond3A_110 = arith.cmpi ne, %convert_element_type3A_108, %cond3A_109 : i32
          scf.if %cond3A_110 {
            %sub3A_158 = arith.constant 1 : i32
            %sub3A_159 = arith.subi %add3A_83, %sub3A_158 : i32
            %dma_wait3A_160 = arith.constant 1 : i32
            %dma_wait3A_161 = arith.constant 0 : i32
            %dma_wait3A_162 = arith.constant 0 : i32
            %dma_wait3A_163 = tpu.memref_slice %arg10[%dma_wait3A_160, %dma_wait3A_161, %dma_wait3A_162] : memref<2x128x32xf32, #tpu.memory_space<vmem>> -> memref<1x128x32xf32, #tpu.memory_space<vmem>>
            %dma_wait3A_164 = tpu.memref_squeeze %dma_wait3A_163 : memref<1x128x32xf32, #tpu.memory_space<vmem>> -> memref<128x32xf32, #tpu.memory_space<vmem>>
            %dma_wait3A_165 = arith.constant 0 : i32
            %dma_wait3A_166 = tpu.memref_slice %arg9[%sub3A_159, %dma_wait3A_165] : memref<40x128xi32, #tpu.memory_space<vmem>> -> memref<1x128xi32, #tpu.memory_space<vmem>>
            %dma_wait3A_167 = tpu.memref_squeeze %dma_wait3A_166 : memref<1x128xi32, #tpu.memory_space<vmem>> -> memref<128xi32, #tpu.memory_space<vmem>>
            %dma_wait3A_168 = arith.constant 0 : i32
            %dma_wait3A_169 = arith.constant 0 : i32
            %dma_wait3A_170 = tpu.memref_slice %arg11[%dma_wait3A_168, %dma_wait3A_169] : memref<50176x32xf32, #tpu.memory_space<vmem_shared>> -> memref<50176x32xf32, #tpu.memory_space<vmem_shared>>
            tpu.wait_indirect_dma semaphore(%arg15 : memref<!tpu.dma_semaphore, #tpu.memory_space<semaphore_mem>>) src(%dma_wait3A_164 : memref<128x32xf32, #tpu.memory_space<vmem>>) dst(%dma_wait3A_170 : memref<50176x32xf32, #tpu.memory_space<vmem_shared>>)
          } else {
          }
          %add3A_111 = arith.constant 1 : i32
          %add3A_112 = arith.addi %add3A_83, %add3A_111 : i32
          %lt3A = arith.constant 40 : i32
          %lt3A_113 = arith.cmpi slt, %add3A_112, %lt3A : i32
          %convert_element_type3A_114 = arith.extui %lt3A_113 : i1 to i32
          %cond3A_115 = arith.constant 0 : i32
          %cond3A_116 = arith.cmpi ne, %convert_element_type3A_114, %cond3A_115 : i32
          scf.if %cond3A_116 {
            %add3A_158 = arith.constant 1 : i32
            %add3A_159 = arith.addi %add3A_83, %add3A_158 : i32
            %dma_start3A_160 = arith.constant 1 : i32
            %dma_start3A_161 = arith.constant 0 : i32
            %dma_start3A_162 = arith.constant 0 : i32
            %dma_start3A_163 = tpu.memref_slice %arg10[%dma_start3A_160, %dma_start3A_161, %dma_start3A_162] : memref<2x128x32xf32, #tpu.memory_space<vmem>> -> memref<1x128x32xf32, #tpu.memory_space<vmem>>
            %dma_start3A_164 = tpu.memref_squeeze %dma_start3A_163 : memref<1x128x32xf32, #tpu.memory_space<vmem>> -> memref<128x32xf32, #tpu.memory_space<vmem>>
            %dma_start3A_165 = arith.constant 0 : i32
            %dma_start3A_166 = tpu.memref_slice %arg8[%add3A_159, %dma_start3A_165] : memref<40x128xi32, #tpu.memory_space<vmem>> -> memref<1x128xi32, #tpu.memory_space<vmem>>
            %dma_start3A_167 = tpu.memref_squeeze %dma_start3A_166 : memref<1x128xi32, #tpu.memory_space<vmem>> -> memref<128xi32, #tpu.memory_space<vmem>>
            %dma_start3A_168 = arith.constant 0 : i32
            %dma_start3A_169 = arith.constant 0 : i32
            %dma_start3A_170 = tpu.memref_slice %arg2[%dma_start3A_168, %dma_start3A_169] : memref<50176x32xf32, #tpu.memory_space<hbm>> -> memref<50176x32xf32, #tpu.memory_space<hbm>>
            tpu.enqueue_indirect_dma source(%dma_start3A_170 : memref<50176x32xf32, #tpu.memory_space<hbm>>) target(%dma_start3A_164 : memref<128x32xf32, #tpu.memory_space<vmem>>) offsets(%dma_start3A_167 : memref<128xi32, #tpu.memory_space<vmem>>) semaphore(%arg13 : memref<!tpu.dma_semaphore, #tpu.memory_space<semaphore_mem>>)
          } else {
          }
          %mul3A_117 = arith.constant 2 : i32
          %mul3A_118 = arith.muli %scan3A_78, %mul3A_117 : i32
          %add3A_119 = arith.constant 1 : i32
          %add3A_120 = arith.addi %mul3A_118, %add3A_119 : i32
          %dma_wait3A_121 = arith.constant 1 : i32
          %dma_wait3A_122 = arith.constant 0 : i32
          %dma_wait3A_123 = arith.constant 0 : i32
          %dma_wait3A_124 = tpu.memref_slice %arg10[%dma_wait3A_121, %dma_wait3A_122, %dma_wait3A_123] : memref<2x128x32xf32, #tpu.memory_space<vmem>> -> memref<1x128x32xf32, #tpu.memory_space<vmem>>
          %dma_wait3A_125 = tpu.memref_squeeze %dma_wait3A_124 : memref<1x128x32xf32, #tpu.memory_space<vmem>> -> memref<128x32xf32, #tpu.memory_space<vmem>>
          %dma_wait3A_126 = arith.constant 0 : i32
          %dma_wait3A_127 = tpu.memref_slice %arg8[%add3A_120, %dma_wait3A_126] : memref<40x128xi32, #tpu.memory_space<vmem>> -> memref<1x128xi32, #tpu.memory_space<vmem>>
          %dma_wait3A_128 = tpu.memref_squeeze %dma_wait3A_127 : memref<1x128xi32, #tpu.memory_space<vmem>> -> memref<128xi32, #tpu.memory_space<vmem>>
          %dma_wait3A_129 = arith.constant 0 : i32
          %dma_wait3A_130 = arith.constant 0 : i32
          %dma_wait3A_131 = tpu.memref_slice %arg2[%dma_wait3A_129, %dma_wait3A_130] : memref<50176x32xf32, #tpu.memory_space<hbm>> -> memref<50176x32xf32, #tpu.memory_space<hbm>>
          tpu.wait_indirect_dma semaphore(%arg13 : memref<!tpu.dma_semaphore, #tpu.memory_space<semaphore_mem>>) src(%dma_wait3A_131 : memref<50176x32xf32, #tpu.memory_space<hbm>>) dst(%dma_wait3A_125 : memref<128x32xf32, #tpu.memory_space<vmem>>)
          %dma_start3A_132 = arith.constant 1 : i32
          %dma_start3A_133 = arith.constant 0 : i32
          %dma_start3A_134 = arith.constant 0 : i32
          %dma_start3A_135 = tpu.memref_slice %arg10[%dma_start3A_132, %dma_start3A_133, %dma_start3A_134] : memref<2x128x32xf32, #tpu.memory_space<vmem>> -> memref<1x128x32xf32, #tpu.memory_space<vmem>>
          %dma_start3A_136 = tpu.memref_squeeze %dma_start3A_135 : memref<1x128x32xf32, #tpu.memory_space<vmem>> -> memref<128x32xf32, #tpu.memory_space<vmem>>
          %dma_start3A_137 = arith.constant 0 : i32
          %dma_start3A_138 = tpu.memref_slice %arg9[%add3A_120, %dma_start3A_137] : memref<40x128xi32, #tpu.memory_space<vmem>> -> memref<1x128xi32, #tpu.memory_space<vmem>>
          %dma_start3A_139 = tpu.memref_squeeze %dma_start3A_138 : memref<1x128xi32, #tpu.memory_space<vmem>> -> memref<128xi32, #tpu.memory_space<vmem>>
          %dma_start3A_140 = arith.constant 0 : i32
          %dma_start3A_141 = arith.constant 0 : i32
          %dma_start3A_142 = tpu.memref_slice %arg11[%dma_start3A_140, %dma_start3A_141] : memref<50176x32xf32, #tpu.memory_space<vmem_shared>> -> memref<50176x32xf32, #tpu.memory_space<vmem_shared>>
          tpu.enqueue_indirect_dma source(%dma_start3A_136 : memref<128x32xf32, #tpu.memory_space<vmem>>) target(%dma_start3A_142 : memref<50176x32xf32, #tpu.memory_space<vmem_shared>>) offsets(%dma_start3A_139 : memref<128xi32, #tpu.memory_space<vmem>>) semaphore(%arg15 : memref<!tpu.dma_semaphore, #tpu.memory_space<semaphore_mem>>) {add = true}
          %sub3A_143 = arith.constant 1 : i32
          %sub3A_144 = arith.subi %add3A_120, %sub3A_143 : i32
          %ge3A_145 = arith.constant 0 : i32
          %ge3A_146 = arith.cmpi sge, %sub3A_144, %ge3A_145 : i32
          %convert_element_type3A_147 = arith.extui %ge3A_146 : i1 to i32
          %cond3A_148 = arith.constant 0 : i32
          %cond3A_149 = arith.cmpi ne, %convert_element_type3A_147, %cond3A_148 : i32
          scf.if %cond3A_149 {
            %sub3A_158 = arith.constant 1 : i32
            %sub3A_159 = arith.subi %add3A_120, %sub3A_158 : i32
            %dma_wait3A_160 = arith.constant 0 : i32
            %dma_wait3A_161 = arith.constant 0 : i32
            %dma_wait3A_162 = arith.constant 0 : i32
            %dma_wait3A_163 = tpu.memref_slice %arg10[%dma_wait3A_160, %dma_wait3A_161, %dma_wait3A_162] : memref<2x128x32xf32, #tpu.memory_space<vmem>> -> memref<1x128x32xf32, #tpu.memory_space<vmem>>
            %dma_wait3A_164 = tpu.memref_squeeze %dma_wait3A_163 : memref<1x128x32xf32, #tpu.memory_space<vmem>> -> memref<128x32xf32, #tpu.memory_space<vmem>>
            %dma_wait3A_165 = arith.constant 0 : i32
            %dma_wait3A_166 = tpu.memref_slice %arg9[%sub3A_159, %dma_wait3A_165] : memref<40x128xi32, #tpu.memory_space<vmem>> -> memref<1x128xi32, #tpu.memory_space<vmem>>
            %dma_wait3A_167 = tpu.memref_squeeze %dma_wait3A_166 : memref<1x128xi32, #tpu.memory_space<vmem>> -> memref<128xi32, #tpu.memory_space<vmem>>
            %dma_wait3A_168 = arith.constant 0 : i32
            %dma_wait3A_169 = arith.constant 0 : i32
            %dma_wait3A_170 = tpu.memref_slice %arg11[%dma_wait3A_168, %dma_wait3A_169] : memref<50176x32xf32, #tpu.memory_space<vmem_shared>> -> memref<50176x32xf32, #tpu.memory_space<vmem_shared>>
            tpu.wait_indirect_dma semaphore(%arg14 : memref<!tpu.dma_semaphore, #tpu.memory_space<semaphore_mem>>) src(%dma_wait3A_164 : memref<128x32xf32, #tpu.memory_space<vmem>>) dst(%dma_wait3A_170 : memref<50176x32xf32, #tpu.memory_space<vmem_shared>>)
          } else {
          }
          %add3A_150 = arith.constant 1 : i32
          %add3A_151 = arith.addi %add3A_120, %add3A_150 : i32
          %lt3A_152 = arith.constant 40 : i32
          %lt3A_153 = arith.cmpi slt, %add3A_151, %lt3A_152 : i32
          %convert_element_type3A_154 = arith.extui %lt3A_153 : i1 to i32
          %cond3A_155 = arith.constant 0 : i32
          %cond3A_156 = arith.cmpi ne, %convert_element_type3A_154, %cond3A_155 : i32
          scf.if %cond3A_156 {
            %add3A_158 = arith.constant 1 : i32
            %add3A_159 = arith.addi %add3A_120, %add3A_158 : i32
            %dma_start3A_160 = arith.constant 0 : i32
            %dma_start3A_161 = arith.constant 0 : i32
            %dma_start3A_162 = arith.constant 0 : i32
            %dma_start3A_163 = tpu.memref_slice %arg10[%dma_start3A_160, %dma_start3A_161, %dma_start3A_162] : memref<2x128x32xf32, #tpu.memory_space<vmem>> -> memref<1x128x32xf32, #tpu.memory_space<vmem>>
            %dma_start3A_164 = tpu.memref_squeeze %dma_start3A_163 : memref<1x128x32xf32, #tpu.memory_space<vmem>> -> memref<128x32xf32, #tpu.memory_space<vmem>>
            %dma_start3A_165 = arith.constant 0 : i32
            %dma_start3A_166 = tpu.memref_slice %arg8[%add3A_159, %dma_start3A_165] : memref<40x128xi32, #tpu.memory_space<vmem>> -> memref<1x128xi32, #tpu.memory_space<vmem>>
            %dma_start3A_167 = tpu.memref_squeeze %dma_start3A_166 : memref<1x128xi32, #tpu.memory_space<vmem>> -> memref<128xi32, #tpu.memory_space<vmem>>
            %dma_start3A_168 = arith.constant 0 : i32
            %dma_start3A_169 = arith.constant 0 : i32
            %dma_start3A_170 = tpu.memref_slice %arg2[%dma_start3A_168, %dma_start3A_169] : memref<50176x32xf32, #tpu.memory_space<hbm>> -> memref<50176x32xf32, #tpu.memory_space<hbm>>
            tpu.enqueue_indirect_dma source(%dma_start3A_170 : memref<50176x32xf32, #tpu.memory_space<hbm>>) target(%dma_start3A_164 : memref<128x32xf32, #tpu.memory_space<vmem>>) offsets(%dma_start3A_167 : memref<128xi32, #tpu.memory_space<vmem>>) semaphore(%arg12 : memref<!tpu.dma_semaphore, #tpu.memory_space<semaphore_mem>>)
          } else {
          }
          %scan3A_157 = arith.constant 0 : i32
          scf.yield %scan3A_157 : i32
        }
        %scan3A_66 = arith.constant 20 : i32
        %dma_wait3A = arith.constant 1 : i32
        %dma_wait3A_67 = arith.constant 39 : i32
        %dma_wait3A_68 = arith.constant 0 : i32
        %dma_wait3A_69 = arith.constant 0 : i32
        %dma_wait3A_70 = tpu.memref_slice %arg10[%dma_wait3A, %dma_wait3A_68, %dma_wait3A_69] : memref<2x128x32xf32, #tpu.memory_space<vmem>> -> memref<1x128x32xf32, #tpu.memory_space<vmem>>
        %dma_wait3A_71 = tpu.memref_squeeze %dma_wait3A_70 : memref<1x128x32xf32, #tpu.memory_space<vmem>> -> memref<128x32xf32, #tpu.memory_space<vmem>>
        %dma_wait3A_72 = arith.constant 0 : i32
        %dma_wait3A_73 = tpu.memref_slice %arg9[%dma_wait3A_67, %dma_wait3A_72] : memref<40x128xi32, #tpu.memory_space<vmem>> -> memref<1x128xi32, #tpu.memory_space<vmem>>
        %dma_wait3A_74 = tpu.memref_squeeze %dma_wait3A_73 : memref<1x128xi32, #tpu.memory_space<vmem>> -> memref<128xi32, #tpu.memory_space<vmem>>
        %dma_wait3A_75 = arith.constant 0 : i32
        %dma_wait3A_76 = arith.constant 0 : i32
        %dma_wait3A_77 = tpu.memref_slice %arg11[%dma_wait3A_75, %dma_wait3A_76] : memref<50176x32xf32, #tpu.memory_space<vmem_shared>> -> memref<50176x32xf32, #tpu.memory_space<vmem_shared>>
        tpu.wait_indirect_dma semaphore(%arg15 : memref<!tpu.dma_semaphore, #tpu.memory_space<semaphore_mem>>) src(%dma_wait3A_71 : memref<128x32xf32, #tpu.memory_space<vmem>>) dst(%dma_wait3A_77 : memref<50176x32xf32, #tpu.memory_space<vmem_shared>>)
      } else {
      }
      %eq3A_43 = arith.constant 1 : i32
      %eq3A_44 = arith.cmpi eq, %arg0, %eq3A_43 : i32
      %convert_element_type3A_45 = arith.extui %eq3A_44 : i1 to i32
      %cond3A_46 = arith.constant 0 : i32
      %cond3A_47 = arith.cmpi ne, %convert_element_type3A_45, %cond3A_46 : i32
      scf.if %cond3A_47 {
        %dma_start3A = arith.constant 0 : i32
        %dma_start3A_49 = arith.constant 0 : i32
        %dma_start3A_50 = arith.constant 0 : i32
        %dma_start3A_51 = arith.constant 0 : i32
        %dma_start3A_52 = tpu.memref_slice %arg10[%dma_start3A_49, %dma_start3A_50, %dma_start3A_51] : memref<2x128x32xf32, #tpu.memory_space<vmem>> -> memref<1x128x32xf32, #tpu.memory_space<vmem>>
        %dma_start3A_53 = tpu.memref_squeeze %dma_start3A_52 : memref<1x128x32xf32, #tpu.memory_space<vmem>> -> memref<128x32xf32, #tpu.memory_space<vmem>>
        %dma_start3A_54 = arith.constant 0 : i32
        %dma_start3A_55 = tpu.memref_slice %arg8[%dma_start3A, %dma_start3A_54] : memref<40x128xi32, #tpu.memory_space<vmem>> -> memref<1x128xi32, #tpu.memory_space<vmem>>
        %dma_start3A_56 = tpu.memref_squeeze %dma_start3A_55 : memref<1x128xi32, #tpu.memory_space<vmem>> -> memref<128xi32, #tpu.memory_space<vmem>>
        %dma_start3A_57 = arith.constant 0 : i32
        %dma_start3A_58 = arith.constant 0 : i32
        %dma_start3A_59 = tpu.memref_slice %arg3[%dma_start3A_57, %dma_start3A_58] : memref<50176x32xf32, #tpu.memory_space<hbm>> -> memref<50176x32xf32, #tpu.memory_space<hbm>>
        tpu.enqueue_indirect_dma source(%dma_start3A_59 : memref<50176x32xf32, #tpu.memory_space<hbm>>) target(%dma_start3A_53 : memref<128x32xf32, #tpu.memory_space<vmem>>) offsets(%dma_start3A_56 : memref<128xi32, #tpu.memory_space<vmem>>) semaphore(%arg12 : memref<!tpu.dma_semaphore, #tpu.memory_space<semaphore_mem>>)
        %scan3A_60 = arith.constant 0 : i32
        %scan3A_61 = arith.constant 0 : i32
        %scan3A_62 = arith.constant 20 : i32
        %scan3A_63 = arith.addi %scan3A_61, %scan3A_62 : i32
        %scan3A_64 = arith.constant 1 : i32
        %scan3A_65 = scf.for %scan3A_78 = %scan3A_61 to %scan3A_63 step %scan3A_64 iter_args(%scan3A_79 = %scan3A_60) -> (i32)  : i32 {
          %mul3A_80 = arith.constant 2 : i32
          %mul3A_81 = arith.muli %scan3A_78, %mul3A_80 : i32
          %add3A_82 = arith.constant 0 : i32
          %add3A_83 = arith.addi %mul3A_81, %add3A_82 : i32
          %dma_wait3A_84 = arith.constant 0 : i32
          %dma_wait3A_85 = arith.constant 0 : i32
          %dma_wait3A_86 = arith.constant 0 : i32
          %dma_wait3A_87 = tpu.memref_slice %arg10[%dma_wait3A_84, %dma_wait3A_85, %dma_wait3A_86] : memref<2x128x32xf32, #tpu.memory_space<vmem>> -> memref<1x128x32xf32, #tpu.memory_space<vmem>>
          %dma_wait3A_88 = tpu.memref_squeeze %dma_wait3A_87 : memref<1x128x32xf32, #tpu.memory_space<vmem>> -> memref<128x32xf32, #tpu.memory_space<vmem>>
          %dma_wait3A_89 = arith.constant 0 : i32
          %dma_wait3A_90 = tpu.memref_slice %arg8[%add3A_83, %dma_wait3A_89] : memref<40x128xi32, #tpu.memory_space<vmem>> -> memref<1x128xi32, #tpu.memory_space<vmem>>
          %dma_wait3A_91 = tpu.memref_squeeze %dma_wait3A_90 : memref<1x128xi32, #tpu.memory_space<vmem>> -> memref<128xi32, #tpu.memory_space<vmem>>
          %dma_wait3A_92 = arith.constant 0 : i32
          %dma_wait3A_93 = arith.constant 0 : i32
          %dma_wait3A_94 = tpu.memref_slice %arg3[%dma_wait3A_92, %dma_wait3A_93] : memref<50176x32xf32, #tpu.memory_space<hbm>> -> memref<50176x32xf32, #tpu.memory_space<hbm>>
          tpu.wait_indirect_dma semaphore(%arg12 : memref<!tpu.dma_semaphore, #tpu.memory_space<semaphore_mem>>) src(%dma_wait3A_94 : memref<50176x32xf32, #tpu.memory_space<hbm>>) dst(%dma_wait3A_88 : memref<128x32xf32, #tpu.memory_space<vmem>>)
          %dma_start3A_95 = arith.constant 0 : i32
          %dma_start3A_96 = arith.constant 0 : i32
          %dma_start3A_97 = arith.constant 0 : i32
          %dma_start3A_98 = tpu.memref_slice %arg10[%dma_start3A_95, %dma_start3A_96, %dma_start3A_97] : memref<2x128x32xf32, #tpu.memory_space<vmem>> -> memref<1x128x32xf32, #tpu.memory_space<vmem>>
          %dma_start3A_99 = tpu.memref_squeeze %dma_start3A_98 : memref<1x128x32xf32, #tpu.memory_space<vmem>> -> memref<128x32xf32, #tpu.memory_space<vmem>>
          %dma_start3A_100 = arith.constant 0 : i32
          %dma_start3A_101 = tpu.memref_slice %arg9[%add3A_83, %dma_start3A_100] : memref<40x128xi32, #tpu.memory_space<vmem>> -> memref<1x128xi32, #tpu.memory_space<vmem>>
          %dma_start3A_102 = tpu.memref_squeeze %dma_start3A_101 : memref<1x128xi32, #tpu.memory_space<vmem>> -> memref<128xi32, #tpu.memory_space<vmem>>
          %dma_start3A_103 = arith.constant 0 : i32
          %dma_start3A_104 = arith.constant 0 : i32
          %dma_start3A_105 = tpu.memref_slice %arg11[%dma_start3A_103, %dma_start3A_104] : memref<50176x32xf32, #tpu.memory_space<vmem_shared>> -> memref<50176x32xf32, #tpu.memory_space<vmem_shared>>
          tpu.enqueue_indirect_dma source(%dma_start3A_99 : memref<128x32xf32, #tpu.memory_space<vmem>>) target(%dma_start3A_105 : memref<50176x32xf32, #tpu.memory_space<vmem_shared>>) offsets(%dma_start3A_102 : memref<128xi32, #tpu.memory_space<vmem>>) semaphore(%arg14 : memref<!tpu.dma_semaphore, #tpu.memory_space<semaphore_mem>>) {add = true}
          %sub3A = arith.constant 1 : i32
          %sub3A_106 = arith.subi %add3A_83, %sub3A : i32
          %ge3A = arith.constant 0 : i32
          %ge3A_107 = arith.cmpi sge, %sub3A_106, %ge3A : i32
          %convert_element_type3A_108 = arith.extui %ge3A_107 : i1 to i32
          %cond3A_109 = arith.constant 0 : i32
          %cond3A_110 = arith.cmpi ne, %convert_element_type3A_108, %cond3A_109 : i32
          scf.if %cond3A_110 {
            %sub3A_158 = arith.constant 1 : i32
            %sub3A_159 = arith.subi %add3A_83, %sub3A_158 : i32
            %dma_wait3A_160 = arith.constant 1 : i32
            %dma_wait3A_161 = arith.constant 0 : i32
            %dma_wait3A_162 = arith.constant 0 : i32
            %dma_wait3A_163 = tpu.memref_slice %arg10[%dma_wait3A_160, %dma_wait3A_161, %dma_wait3A_162] : memref<2x128x32xf32, #tpu.memory_space<vmem>> -> memref<1x128x32xf32, #tpu.memory_space<vmem>>
            %dma_wait3A_164 = tpu.memref_squeeze %dma_wait3A_163 : memref<1x128x32xf32, #tpu.memory_space<vmem>> -> memref<128x32xf32, #tpu.memory_space<vmem>>
            %dma_wait3A_165 = arith.constant 0 : i32
            %dma_wait3A_166 = tpu.memref_slice %arg9[%sub3A_159, %dma_wait3A_165] : memref<40x128xi32, #tpu.memory_space<vmem>> -> memref<1x128xi32, #tpu.memory_space<vmem>>
            %dma_wait3A_167 = tpu.memref_squeeze %dma_wait3A_166 : memref<1x128xi32, #tpu.memory_space<vmem>> -> memref<128xi32, #tpu.memory_space<vmem>>
            %dma_wait3A_168 = arith.constant 0 : i32
            %dma_wait3A_169 = arith.constant 0 : i32
            %dma_wait3A_170 = tpu.memref_slice %arg11[%dma_wait3A_168, %dma_wait3A_169] : memref<50176x32xf32, #tpu.memory_space<vmem_shared>> -> memref<50176x32xf32, #tpu.memory_space<vmem_shared>>
            tpu.wait_indirect_dma semaphore(%arg15 : memref<!tpu.dma_semaphore, #tpu.memory_space<semaphore_mem>>) src(%dma_wait3A_164 : memref<128x32xf32, #tpu.memory_space<vmem>>) dst(%dma_wait3A_170 : memref<50176x32xf32, #tpu.memory_space<vmem_shared>>)
          } else {
          }
          %add3A_111 = arith.constant 1 : i32
          %add3A_112 = arith.addi %add3A_83, %add3A_111 : i32
          %lt3A = arith.constant 40 : i32
          %lt3A_113 = arith.cmpi slt, %add3A_112, %lt3A : i32
          %convert_element_type3A_114 = arith.extui %lt3A_113 : i1 to i32
          %cond3A_115 = arith.constant 0 : i32
          %cond3A_116 = arith.cmpi ne, %convert_element_type3A_114, %cond3A_115 : i32
          scf.if %cond3A_116 {
            %add3A_158 = arith.constant 1 : i32
            %add3A_159 = arith.addi %add3A_83, %add3A_158 : i32
            %dma_start3A_160 = arith.constant 1 : i32
            %dma_start3A_161 = arith.constant 0 : i32
            %dma_start3A_162 = arith.constant 0 : i32
            %dma_start3A_163 = tpu.memref_slice %arg10[%dma_start3A_160, %dma_start3A_161, %dma_start3A_162] : memref<2x128x32xf32, #tpu.memory_space<vmem>> -> memref<1x128x32xf32, #tpu.memory_space<vmem>>
            %dma_start3A_164 = tpu.memref_squeeze %dma_start3A_163 : memref<1x128x32xf32, #tpu.memory_space<vmem>> -> memref<128x32xf32, #tpu.memory_space<vmem>>
            %dma_start3A_165 = arith.constant 0 : i32
            %dma_start3A_166 = tpu.memref_slice %arg8[%add3A_159, %dma_start3A_165] : memref<40x128xi32, #tpu.memory_space<vmem>> -> memref<1x128xi32, #tpu.memory_space<vmem>>
            %dma_start3A_167 = tpu.memref_squeeze %dma_start3A_166 : memref<1x128xi32, #tpu.memory_space<vmem>> -> memref<128xi32, #tpu.memory_space<vmem>>
            %dma_start3A_168 = arith.constant 0 : i32
            %dma_start3A_169 = arith.constant 0 : i32
            %dma_start3A_170 = tpu.memref_slice %arg3[%dma_start3A_168, %dma_start3A_169] : memref<50176x32xf32, #tpu.memory_space<hbm>> -> memref<50176x32xf32, #tpu.memory_space<hbm>>
            tpu.enqueue_indirect_dma source(%dma_start3A_170 : memref<50176x32xf32, #tpu.memory_space<hbm>>) target(%dma_start3A_164 : memref<128x32xf32, #tpu.memory_space<vmem>>) offsets(%dma_start3A_167 : memref<128xi32, #tpu.memory_space<vmem>>) semaphore(%arg13 : memref<!tpu.dma_semaphore, #tpu.memory_space<semaphore_mem>>)
          } else {
          }
          %mul3A_117 = arith.constant 2 : i32
          %mul3A_118 = arith.muli %scan3A_78, %mul3A_117 : i32
          %add3A_119 = arith.constant 1 : i32
          %add3A_120 = arith.addi %mul3A_118, %add3A_119 : i32
          %dma_wait3A_121 = arith.constant 1 : i32
          %dma_wait3A_122 = arith.constant 0 : i32
          %dma_wait3A_123 = arith.constant 0 : i32
          %dma_wait3A_124 = tpu.memref_slice %arg10[%dma_wait3A_121, %dma_wait3A_122, %dma_wait3A_123] : memref<2x128x32xf32, #tpu.memory_space<vmem>> -> memref<1x128x32xf32, #tpu.memory_space<vmem>>
          %dma_wait3A_125 = tpu.memref_squeeze %dma_wait3A_124 : memref<1x128x32xf32, #tpu.memory_space<vmem>> -> memref<128x32xf32, #tpu.memory_space<vmem>>
          %dma_wait3A_126 = arith.constant 0 : i32
          %dma_wait3A_127 = tpu.memref_slice %arg8[%add3A_120, %dma_wait3A_126] : memref<40x128xi32, #tpu.memory_space<vmem>> -> memref<1x128xi32, #tpu.memory_space<vmem>>
          %dma_wait3A_128 = tpu.memref_squeeze %dma_wait3A_127 : memref<1x128xi32, #tpu.memory_space<vmem>> -> memref<128xi32, #tpu.memory_space<vmem>>
          %dma_wait3A_129 = arith.constant 0 : i32
          %dma_wait3A_130 = arith.constant 0 : i32
          %dma_wait3A_131 = tpu.memref_slice %arg3[%dma_wait3A_129, %dma_wait3A_130] : memref<50176x32xf32, #tpu.memory_space<hbm>> -> memref<50176x32xf32, #tpu.memory_space<hbm>>
          tpu.wait_indirect_dma semaphore(%arg13 : memref<!tpu.dma_semaphore, #tpu.memory_space<semaphore_mem>>) src(%dma_wait3A_131 : memref<50176x32xf32, #tpu.memory_space<hbm>>) dst(%dma_wait3A_125 : memref<128x32xf32, #tpu.memory_space<vmem>>)
          %dma_start3A_132 = arith.constant 1 : i32
          %dma_start3A_133 = arith.constant 0 : i32
          %dma_start3A_134 = arith.constant 0 : i32
          %dma_start3A_135 = tpu.memref_slice %arg10[%dma_start3A_132, %dma_start3A_133, %dma_start3A_134] : memref<2x128x32xf32, #tpu.memory_space<vmem>> -> memref<1x128x32xf32, #tpu.memory_space<vmem>>
          %dma_start3A_136 = tpu.memref_squeeze %dma_start3A_135 : memref<1x128x32xf32, #tpu.memory_space<vmem>> -> memref<128x32xf32, #tpu.memory_space<vmem>>
          %dma_start3A_137 = arith.constant 0 : i32
          %dma_start3A_138 = tpu.memref_slice %arg9[%add3A_120, %dma_start3A_137] : memref<40x128xi32, #tpu.memory_space<vmem>> -> memref<1x128xi32, #tpu.memory_space<vmem>>
          %dma_start3A_139 = tpu.memref_squeeze %dma_start3A_138 : memref<1x128xi32, #tpu.memory_space<vmem>> -> memref<128xi32, #tpu.memory_space<vmem>>
          %dma_start3A_140 = arith.constant 0 : i32
          %dma_start3A_141 = arith.constant 0 : i32
          %dma_start3A_142 = tpu.memref_slice %arg11[%dma_start3A_140, %dma_start3A_141] : memref<50176x32xf32, #tpu.memory_space<vmem_shared>> -> memref<50176x32xf32, #tpu.memory_space<vmem_shared>>
          tpu.enqueue_indirect_dma source(%dma_start3A_136 : memref<128x32xf32, #tpu.memory_space<vmem>>) target(%dma_start3A_142 : memref<50176x32xf32, #tpu.memory_space<vmem_shared>>) offsets(%dma_start3A_139 : memref<128xi32, #tpu.memory_space<vmem>>) semaphore(%arg15 : memref<!tpu.dma_semaphore, #tpu.memory_space<semaphore_mem>>) {add = true}
          %sub3A_143 = arith.constant 1 : i32
          %sub3A_144 = arith.subi %add3A_120, %sub3A_143 : i32
          %ge3A_145 = arith.constant 0 : i32
          %ge3A_146 = arith.cmpi sge, %sub3A_144, %ge3A_145 : i32
          %convert_element_type3A_147 = arith.extui %ge3A_146 : i1 to i32
          %cond3A_148 = arith.constant 0 : i32
          %cond3A_149 = arith.cmpi ne, %convert_element_type3A_147, %cond3A_148 : i32
          scf.if %cond3A_149 {
            %sub3A_158 = arith.constant 1 : i32
            %sub3A_159 = arith.subi %add3A_120, %sub3A_158 : i32
            %dma_wait3A_160 = arith.constant 0 : i32
            %dma_wait3A_161 = arith.constant 0 : i32
            %dma_wait3A_162 = arith.constant 0 : i32
            %dma_wait3A_163 = tpu.memref_slice %arg10[%dma_wait3A_160, %dma_wait3A_161, %dma_wait3A_162] : memref<2x128x32xf32, #tpu.memory_space<vmem>> -> memref<1x128x32xf32, #tpu.memory_space<vmem>>
            %dma_wait3A_164 = tpu.memref_squeeze %dma_wait3A_163 : memref<1x128x32xf32, #tpu.memory_space<vmem>> -> memref<128x32xf32, #tpu.memory_space<vmem>>
            %dma_wait3A_165 = arith.constant 0 : i32
            %dma_wait3A_166 = tpu.memref_slice %arg9[%sub3A_159, %dma_wait3A_165] : memref<40x128xi32, #tpu.memory_space<vmem>> -> memref<1x128xi32, #tpu.memory_space<vmem>>
            %dma_wait3A_167 = tpu.memref_squeeze %dma_wait3A_166 : memref<1x128xi32, #tpu.memory_space<vmem>> -> memref<128xi32, #tpu.memory_space<vmem>>
            %dma_wait3A_168 = arith.constant 0 : i32
            %dma_wait3A_169 = arith.constant 0 : i32
            %dma_wait3A_170 = tpu.memref_slice %arg11[%dma_wait3A_168, %dma_wait3A_169] : memref<50176x32xf32, #tpu.memory_space<vmem_shared>> -> memref<50176x32xf32, #tpu.memory_space<vmem_shared>>
            tpu.wait_indirect_dma semaphore(%arg14 : memref<!tpu.dma_semaphore, #tpu.memory_space<semaphore_mem>>) src(%dma_wait3A_164 : memref<128x32xf32, #tpu.memory_space<vmem>>) dst(%dma_wait3A_170 : memref<50176x32xf32, #tpu.memory_space<vmem_shared>>)
          } else {
          }
          %add3A_150 = arith.constant 1 : i32
          %add3A_151 = arith.addi %add3A_120, %add3A_150 : i32
          %lt3A_152 = arith.constant 40 : i32
          %lt3A_153 = arith.cmpi slt, %add3A_151, %lt3A_152 : i32
          %convert_element_type3A_154 = arith.extui %lt3A_153 : i1 to i32
          %cond3A_155 = arith.constant 0 : i32
          %cond3A_156 = arith.cmpi ne, %convert_element_type3A_154, %cond3A_155 : i32
          scf.if %cond3A_156 {
            %add3A_158 = arith.constant 1 : i32
            %add3A_159 = arith.addi %add3A_120, %add3A_158 : i32
            %dma_start3A_160 = arith.constant 0 : i32
            %dma_start3A_161 = arith.constant 0 : i32
            %dma_start3A_162 = arith.constant 0 : i32
            %dma_start3A_163 = tpu.memref_slice %arg10[%dma_start3A_160, %dma_start3A_161, %dma_start3A_162] : memref<2x128x32xf32, #tpu.memory_space<vmem>> -> memref<1x128x32xf32, #tpu.memory_space<vmem>>
            %dma_start3A_164 = tpu.memref_squeeze %dma_start3A_163 : memref<1x128x32xf32, #tpu.memory_space<vmem>> -> memref<128x32xf32, #tpu.memory_space<vmem>>
            %dma_start3A_165 = arith.constant 0 : i32
            %dma_start3A_166 = tpu.memref_slice %arg8[%add3A_159, %dma_start3A_165] : memref<40x128xi32, #tpu.memory_space<vmem>> -> memref<1x128xi32, #tpu.memory_space<vmem>>
            %dma_start3A_167 = tpu.memref_squeeze %dma_start3A_166 : memref<1x128xi32, #tpu.memory_space<vmem>> -> memref<128xi32, #tpu.memory_space<vmem>>
            %dma_start3A_168 = arith.constant 0 : i32
            %dma_start3A_169 = arith.constant 0 : i32
            %dma_start3A_170 = tpu.memref_slice %arg3[%dma_start3A_168, %dma_start3A_169] : memref<50176x32xf32, #tpu.memory_space<hbm>> -> memref<50176x32xf32, #tpu.memory_space<hbm>>
            tpu.enqueue_indirect_dma source(%dma_start3A_170 : memref<50176x32xf32, #tpu.memory_space<hbm>>) target(%dma_start3A_164 : memref<128x32xf32, #tpu.memory_space<vmem>>) offsets(%dma_start3A_167 : memref<128xi32, #tpu.memory_space<vmem>>) semaphore(%arg12 : memref<!tpu.dma_semaphore, #tpu.memory_space<semaphore_mem>>)
          } else {
          }
          %scan3A_157 = arith.constant 0 : i32
          scf.yield %scan3A_157 : i32
        }
        %scan3A_66 = arith.constant 20 : i32
        %dma_wait3A = arith.constant 1 : i32
        %dma_wait3A_67 = arith.constant 39 : i32
        %dma_wait3A_68 = arith.constant 0 : i32
        %dma_wait3A_69 = arith.constant 0 : i32
        %dma_wait3A_70 = tpu.memref_slice %arg10[%dma_wait3A, %dma_wait3A_68, %dma_wait3A_69] : memref<2x128x32xf32, #tpu.memory_space<vmem>> -> memref<1x128x32xf32, #tpu.memory_space<vmem>>
        %dma_wait3A_71 = tpu.memref_squeeze %dma_wait3A_70 : memref<1x128x32xf32, #tpu.memory_space<vmem>> -> memref<128x32xf32, #tpu.memory_space<vmem>>
        %dma_wait3A_72 = arith.constant 0 : i32
        %dma_wait3A_73 = tpu.memref_slice %arg9[%dma_wait3A_67, %dma_wait3A_72] : memref<40x128xi32, #tpu.memory_space<vmem>> -> memref<1x128xi32, #tpu.memory_space<vmem>>
        %dma_wait3A_74 = tpu.memref_squeeze %dma_wait3A_73 : memref<1x128xi32, #tpu.memory_space<vmem>> -> memref<128xi32, #tpu.memory_space<vmem>>
        %dma_wait3A_75 = arith.constant 0 : i32
        %dma_wait3A_76 = arith.constant 0 : i32
        %dma_wait3A_77 = tpu.memref_slice %arg11[%dma_wait3A_75, %dma_wait3A_76] : memref<50176x32xf32, #tpu.memory_space<vmem_shared>> -> memref<50176x32xf32, #tpu.memory_space<vmem_shared>>
        tpu.wait_indirect_dma semaphore(%arg15 : memref<!tpu.dma_semaphore, #tpu.memory_space<semaphore_mem>>) src(%dma_wait3A_71 : memref<128x32xf32, #tpu.memory_space<vmem>>) dst(%dma_wait3A_77 : memref<50176x32xf32, #tpu.memory_space<vmem_shared>>)
      } else {
      }
      %scan3A_48 = arith.constant 0 : i32
      scf.yield %scan3A_48 : i32
    }
    %scan3A_21 = arith.constant 10 : i32
    %barrier3A_22 = arith.constant 0 : index
    tpu.barrier barrier_id(%barrier3A_22)
    %scan3A_23 = arith.constant 1 : i32
    %scan3A_24 = arith.constant 0 : i32
    %scan3A_25 = arith.constant 0 : i32
    %scan3A_26 = arith.constant 49 : i32
    %scan3A_27 = arith.addi %scan3A_25, %scan3A_26 : i32
    %scan3A_28 = arith.constant 1 : i32
    %scan3A_29 = scf.for %scan3A_31 = %scan3A_25 to %scan3A_27 step %scan3A_28 iter_args(%scan3A_32 = %scan3A_24) -> (i32)  : i32 {
      %mul3A = arith.constant 3136 : i32
      %mul3A_33 = arith.muli %arg1, %mul3A : i32
      %mul3A_34 = arith.constant 64 : i32
      %mul3A_35 = arith.muli %scan3A_31, %mul3A_34 : i32
      %add3A = arith.addi %mul3A_33, %mul3A_35 : i32
      "tpu.region"() ({
        %run_scoped3A = tpu.sem_alloc : memref<!tpu.dma_semaphore, #tpu.memory_space<semaphore_mem>>
        %dma_start3A = arith.constant 0 : i32
        %dma_start3A_44 = arith.constant 0 : i32
        %dma_start3A_45 = tpu.memref_slice %arg10[%scan3A_23, %dma_start3A, %dma_start3A_44] : memref<2x128x32xf32, #tpu.memory_space<vmem>> -> memref<1x128x32xf32, #tpu.memory_space<vmem>>
        %dma_start3A_46 = tpu.memref_squeeze %dma_start3A_45 : memref<1x128x32xf32, #tpu.memory_space<vmem>> -> memref<128x32xf32, #tpu.memory_space<vmem>>
        %dma_start3A_47 = arith.constant 0 : i32
        %dma_start3A_48 = arith.constant 0 : i32
        %dma_start3A_49 = tpu.memref_slice %dma_start3A_46[%dma_start3A_47, %dma_start3A_48] : memref<128x32xf32, #tpu.memory_space<vmem>> -> memref<64x32xf32, #tpu.memory_space<vmem>>
        %dma_start3A_50 = arith.constant 0 : i32
        %dma_start3A_51 = tpu.memref_slice %arg11[%add3A, %dma_start3A_50] : memref<50176x32xf32, #tpu.memory_space<vmem_shared>> -> memref<64x32xf32, #tpu.memory_space<vmem_shared>>
        %dma_start3A_52 = arith.constant 0 : i32
        %dma_start3A_53 = arith.constant 0 : i32
        %dma_start3A_54 = tpu.memref_slice %arg10[%scan3A_23, %dma_start3A_52, %dma_start3A_53] : memref<2x128x32xf32, #tpu.memory_space<vmem>> -> memref<1x128x32xf32, #tpu.memory_space<vmem>>
        %dma_start3A_55 = tpu.memref_squeeze %dma_start3A_54 : memref<1x128x32xf32, #tpu.memory_space<vmem>> -> memref<128x32xf32, #tpu.memory_space<vmem>>
        %dma_start3A_56 = arith.constant 0 : i32
        %dma_start3A_57 = arith.constant 0 : i32
        %dma_start3A_58 = tpu.memref_slice %dma_start3A_55[%dma_start3A_56, %dma_start3A_57] : memref<128x32xf32, #tpu.memory_space<vmem>> -> memref<64x32xf32, #tpu.memory_space<vmem>>
        %dma_start3A_59 = arith.constant 0 : i32
        %dma_start3A_60 = tpu.memref_slice %arg11[%add3A, %dma_start3A_59] : memref<50176x32xf32, #tpu.memory_space<vmem_shared>> -> memref<64x32xf32, #tpu.memory_space<vmem_shared>>
        tpu.enqueue_dma source(%dma_start3A_60 : memref<64x32xf32, #tpu.memory_space<vmem_shared>>) target(%dma_start3A_58 : memref<64x32xf32, #tpu.memory_space<vmem>>) target_semaphore(%run_scoped3A : memref<!tpu.dma_semaphore, #tpu.memory_space<semaphore_mem>>)
        %dma_wait3A = arith.constant 0 : i32
        %dma_wait3A_61 = arith.constant 0 : i32
        %dma_wait3A_62 = tpu.memref_slice %arg10[%scan3A_23, %dma_wait3A, %dma_wait3A_61] : memref<2x128x32xf32, #tpu.memory_space<vmem>> -> memref<1x128x32xf32, #tpu.memory_space<vmem>>
        %dma_wait3A_63 = tpu.memref_squeeze %dma_wait3A_62 : memref<1x128x32xf32, #tpu.memory_space<vmem>> -> memref<128x32xf32, #tpu.memory_space<vmem>>
        %dma_wait3A_64 = arith.constant 0 : i32
        %dma_wait3A_65 = arith.constant 0 : i32
        %dma_wait3A_66 = tpu.memref_slice %dma_wait3A_63[%dma_wait3A_64, %dma_wait3A_65] : memref<128x32xf32, #tpu.memory_space<vmem>> -> memref<64x32xf32, #tpu.memory_space<vmem>>
        %dma_wait3A_67 = arith.constant 0 : i32
        %dma_wait3A_68 = tpu.memref_slice %arg11[%add3A, %dma_wait3A_67] : memref<50176x32xf32, #tpu.memory_space<vmem_shared>> -> memref<64x32xf32, #tpu.memory_space<vmem_shared>>
        %dma_wait3A_69 = arith.constant 0 : i32
        %dma_wait3A_70 = arith.constant 0 : i32
        %dma_wait3A_71 = tpu.memref_slice %arg10[%scan3A_23, %dma_wait3A_69, %dma_wait3A_70] : memref<2x128x32xf32, #tpu.memory_space<vmem>> -> memref<1x128x32xf32, #tpu.memory_space<vmem>>
        %dma_wait3A_72 = tpu.memref_squeeze %dma_wait3A_71 : memref<1x128x32xf32, #tpu.memory_space<vmem>> -> memref<128x32xf32, #tpu.memory_space<vmem>>
        %dma_wait3A_73 = arith.constant 0 : i32
        %dma_wait3A_74 = arith.constant 0 : i32
        %dma_wait3A_75 = tpu.memref_slice %dma_wait3A_72[%dma_wait3A_73, %dma_wait3A_74] : memref<128x32xf32, #tpu.memory_space<vmem>> -> memref<64x32xf32, #tpu.memory_space<vmem>>
        %dma_wait3A_76 = arith.constant 0 : i32
        %dma_wait3A_77 = tpu.memref_slice %arg11[%add3A, %dma_wait3A_76] : memref<50176x32xf32, #tpu.memory_space<vmem_shared>> -> memref<64x32xf32, #tpu.memory_space<vmem_shared>>
        tpu.wait_dma2 semaphore(%run_scoped3A : memref<!tpu.dma_semaphore, #tpu.memory_space<semaphore_mem>>) src(%dma_wait3A_77 : memref<64x32xf32, #tpu.memory_space<vmem_shared>>) dst(%dma_wait3A_75 : memref<64x32xf32, #tpu.memory_space<vmem>>)
        tpu.yield
      }) : () -> ()
      %eq3A = arith.constant 0 : i32
      %eq3A_36 = arith.cmpi eq, %arg0, %eq3A : i32
      %convert_element_type3A = arith.extui %eq3A_36 : i1 to i32
      %cond3A = arith.constant 0 : i32
      %cond3A_37 = arith.cmpi ne, %convert_element_type3A, %cond3A : i32
      scf.if %cond3A_37 {
        "tpu.region"() ({
          %run_scoped3A = tpu.sem_alloc : memref<!tpu.dma_semaphore, #tpu.memory_space<semaphore_mem>>
          %dma_start3A = arith.constant 0 : i32
          %dma_start3A_44 = arith.constant 0 : i32
          %dma_start3A_45 = tpu.memref_slice %arg10[%scan3A_23, %dma_start3A, %dma_start3A_44] : memref<2x128x32xf32, #tpu.memory_space<vmem>> -> memref<1x128x32xf32, #tpu.memory_space<vmem>>
          %dma_start3A_46 = tpu.memref_squeeze %dma_start3A_45 : memref<1x128x32xf32, #tpu.memory_space<vmem>> -> memref<128x32xf32, #tpu.memory_space<vmem>>
          %dma_start3A_47 = arith.constant 0 : i32
          %dma_start3A_48 = arith.constant 0 : i32
          %dma_start3A_49 = tpu.memref_slice %dma_start3A_46[%dma_start3A_47, %dma_start3A_48] : memref<128x32xf32, #tpu.memory_space<vmem>> -> memref<64x32xf32, #tpu.memory_space<vmem>>
          %dma_start3A_50 = arith.constant 0 : i32
          %dma_start3A_51 = tpu.memref_slice %arg6[%add3A, %dma_start3A_50] : memref<50176x32xf32, #tpu.memory_space<hbm>> -> memref<64x32xf32, #tpu.memory_space<hbm>>
          %dma_start3A_52 = arith.constant 0 : i32
          %dma_start3A_53 = tpu.memref_slice %arg6[%add3A, %dma_start3A_52] : memref<50176x32xf32, #tpu.memory_space<hbm>> -> memref<64x32xf32, #tpu.memory_space<hbm>>
          %dma_start3A_54 = arith.constant 0 : i32
          %dma_start3A_55 = arith.constant 0 : i32
          %dma_start3A_56 = tpu.memref_slice %arg10[%scan3A_23, %dma_start3A_54, %dma_start3A_55] : memref<2x128x32xf32, #tpu.memory_space<vmem>> -> memref<1x128x32xf32, #tpu.memory_space<vmem>>
          %dma_start3A_57 = tpu.memref_squeeze %dma_start3A_56 : memref<1x128x32xf32, #tpu.memory_space<vmem>> -> memref<128x32xf32, #tpu.memory_space<vmem>>
          %dma_start3A_58 = arith.constant 0 : i32
          %dma_start3A_59 = arith.constant 0 : i32
          %dma_start3A_60 = tpu.memref_slice %dma_start3A_57[%dma_start3A_58, %dma_start3A_59] : memref<128x32xf32, #tpu.memory_space<vmem>> -> memref<64x32xf32, #tpu.memory_space<vmem>>
          tpu.enqueue_dma source(%dma_start3A_60 : memref<64x32xf32, #tpu.memory_space<vmem>>) target(%dma_start3A_53 : memref<64x32xf32, #tpu.memory_space<hbm>>) target_semaphore(%run_scoped3A : memref<!tpu.dma_semaphore, #tpu.memory_space<semaphore_mem>>)
          %dma_wait3A = arith.constant 0 : i32
          %dma_wait3A_61 = arith.constant 0 : i32
          %dma_wait3A_62 = tpu.memref_slice %arg10[%scan3A_23, %dma_wait3A, %dma_wait3A_61] : memref<2x128x32xf32, #tpu.memory_space<vmem>> -> memref<1x128x32xf32, #tpu.memory_space<vmem>>
          %dma_wait3A_63 = tpu.memref_squeeze %dma_wait3A_62 : memref<1x128x32xf32, #tpu.memory_space<vmem>> -> memref<128x32xf32, #tpu.memory_space<vmem>>
          %dma_wait3A_64 = arith.constant 0 : i32
          %dma_wait3A_65 = arith.constant 0 : i32
          %dma_wait3A_66 = tpu.memref_slice %dma_wait3A_63[%dma_wait3A_64, %dma_wait3A_65] : memref<128x32xf32, #tpu.memory_space<vmem>> -> memref<64x32xf32, #tpu.memory_space<vmem>>
          %dma_wait3A_67 = arith.constant 0 : i32
          %dma_wait3A_68 = tpu.memref_slice %arg6[%add3A, %dma_wait3A_67] : memref<50176x32xf32, #tpu.memory_space<hbm>> -> memref<64x32xf32, #tpu.memory_space<hbm>>
          %dma_wait3A_69 = arith.constant 0 : i32
          %dma_wait3A_70 = tpu.memref_slice %arg6[%add3A, %dma_wait3A_69] : memref<50176x32xf32, #tpu.memory_space<hbm>> -> memref<64x32xf32, #tpu.memory_space<hbm>>
          %dma_wait3A_71 = arith.constant 0 : i32
          %dma_wait3A_72 = arith.constant 0 : i32
          %dma_wait3A_73 = tpu.memref_slice %arg10[%scan3A_23, %dma_wait3A_71, %dma_wait3A_72] : memref<2x128x32xf32, #tpu.memory_space<vmem>> -> memref<1x128x32xf32, #tpu.memory_space<vmem>>
          %dma_wait3A_74 = tpu.memref_squeeze %dma_wait3A_73 : memref<1x128x32xf32, #tpu.memory_space<vmem>> -> memref<128x32xf32, #tpu.memory_space<vmem>>
          %dma_wait3A_75 = arith.constant 0 : i32
          %dma_wait3A_76 = arith.constant 0 : i32
          %dma_wait3A_77 = tpu.memref_slice %dma_wait3A_74[%dma_wait3A_75, %dma_wait3A_76] : memref<128x32xf32, #tpu.memory_space<vmem>> -> memref<64x32xf32, #tpu.memory_space<vmem>>
          tpu.wait_dma2 semaphore(%run_scoped3A : memref<!tpu.dma_semaphore, #tpu.memory_space<semaphore_mem>>) src(%dma_wait3A_77 : memref<64x32xf32, #tpu.memory_space<vmem>>) dst(%dma_wait3A_70 : memref<64x32xf32, #tpu.memory_space<hbm>>)
          tpu.yield
        }) : () -> ()
      } else {
      }
      %eq3A_38 = arith.constant 1 : i32
      %eq3A_39 = arith.cmpi eq, %arg0, %eq3A_38 : i32
      %convert_element_type3A_40 = arith.extui %eq3A_39 : i1 to i32
      %cond3A_41 = arith.constant 0 : i32
      %cond3A_42 = arith.cmpi ne, %convert_element_type3A_40, %cond3A_41 : i32
      scf.if %cond3A_42 {
        "tpu.region"() ({
          %run_scoped3A = tpu.sem_alloc : memref<!tpu.dma_semaphore, #tpu.memory_space<semaphore_mem>>
          %dma_start3A = arith.constant 0 : i32
          %dma_start3A_44 = arith.constant 0 : i32
          %dma_start3A_45 = tpu.memref_slice %arg10[%scan3A_23, %dma_start3A, %dma_start3A_44] : memref<2x128x32xf32, #tpu.memory_space<vmem>> -> memref<1x128x32xf32, #tpu.memory_space<vmem>>
          %dma_start3A_46 = tpu.memref_squeeze %dma_start3A_45 : memref<1x128x32xf32, #tpu.memory_space<vmem>> -> memref<128x32xf32, #tpu.memory_space<vmem>>
          %dma_start3A_47 = arith.constant 0 : i32
          %dma_start3A_48 = arith.constant 0 : i32
          %dma_start3A_49 = tpu.memref_slice %dma_start3A_46[%dma_start3A_47, %dma_start3A_48] : memref<128x32xf32, #tpu.memory_space<vmem>> -> memref<64x32xf32, #tpu.memory_space<vmem>>
          %dma_start3A_50 = arith.constant 0 : i32
          %dma_start3A_51 = tpu.memref_slice %arg7[%add3A, %dma_start3A_50] : memref<50176x32xf32, #tpu.memory_space<hbm>> -> memref<64x32xf32, #tpu.memory_space<hbm>>
          %dma_start3A_52 = arith.constant 0 : i32
          %dma_start3A_53 = tpu.memref_slice %arg7[%add3A, %dma_start3A_52] : memref<50176x32xf32, #tpu.memory_space<hbm>> -> memref<64x32xf32, #tpu.memory_space<hbm>>
          %dma_start3A_54 = arith.constant 0 : i32
          %dma_start3A_55 = arith.constant 0 : i32
          %dma_start3A_56 = tpu.memref_slice %arg10[%scan3A_23, %dma_start3A_54, %dma_start3A_55] : memref<2x128x32xf32, #tpu.memory_space<vmem>> -> memref<1x128x32xf32, #tpu.memory_space<vmem>>
          %dma_start3A_57 = tpu.memref_squeeze %dma_start3A_56 : memref<1x128x32xf32, #tpu.memory_space<vmem>> -> memref<128x32xf32, #tpu.memory_space<vmem>>
          %dma_start3A_58 = arith.constant 0 : i32
          %dma_start3A_59 = arith.constant 0 : i32
          %dma_start3A_60 = tpu.memref_slice %dma_start3A_57[%dma_start3A_58, %dma_start3A_59] : memref<128x32xf32, #tpu.memory_space<vmem>> -> memref<64x32xf32, #tpu.memory_space<vmem>>
          tpu.enqueue_dma source(%dma_start3A_60 : memref<64x32xf32, #tpu.memory_space<vmem>>) target(%dma_start3A_53 : memref<64x32xf32, #tpu.memory_space<hbm>>) target_semaphore(%run_scoped3A : memref<!tpu.dma_semaphore, #tpu.memory_space<semaphore_mem>>)
          %dma_wait3A = arith.constant 0 : i32
          %dma_wait3A_61 = arith.constant 0 : i32
          %dma_wait3A_62 = tpu.memref_slice %arg10[%scan3A_23, %dma_wait3A, %dma_wait3A_61] : memref<2x128x32xf32, #tpu.memory_space<vmem>> -> memref<1x128x32xf32, #tpu.memory_space<vmem>>
          %dma_wait3A_63 = tpu.memref_squeeze %dma_wait3A_62 : memref<1x128x32xf32, #tpu.memory_space<vmem>> -> memref<128x32xf32, #tpu.memory_space<vmem>>
          %dma_wait3A_64 = arith.constant 0 : i32
          %dma_wait3A_65 = arith.constant 0 : i32
          %dma_wait3A_66 = tpu.memref_slice %dma_wait3A_63[%dma_wait3A_64, %dma_wait3A_65] : memref<128x32xf32, #tpu.memory_space<vmem>> -> memref<64x32xf32, #tpu.memory_space<vmem>>
          %dma_wait3A_67 = arith.constant 0 : i32
          %dma_wait3A_68 = tpu.memref_slice %arg7[%add3A, %dma_wait3A_67] : memref<50176x32xf32, #tpu.memory_space<hbm>> -> memref<64x32xf32, #tpu.memory_space<hbm>>
          %dma_wait3A_69 = arith.constant 0 : i32
          %dma_wait3A_70 = tpu.memref_slice %arg7[%add3A, %dma_wait3A_69] : memref<50176x32xf32, #tpu.memory_space<hbm>> -> memref<64x32xf32, #tpu.memory_space<hbm>>
          %dma_wait3A_71 = arith.constant 0 : i32
          %dma_wait3A_72 = arith.constant 0 : i32
          %dma_wait3A_73 = tpu.memref_slice %arg10[%scan3A_23, %dma_wait3A_71, %dma_wait3A_72] : memref<2x128x32xf32, #tpu.memory_space<vmem>> -> memref<1x128x32xf32, #tpu.memory_space<vmem>>
          %dma_wait3A_74 = tpu.memref_squeeze %dma_wait3A_73 : memref<1x128x32xf32, #tpu.memory_space<vmem>> -> memref<128x32xf32, #tpu.memory_space<vmem>>
          %dma_wait3A_75 = arith.constant 0 : i32
          %dma_wait3A_76 = arith.constant 0 : i32
          %dma_wait3A_77 = tpu.memref_slice %dma_wait3A_74[%dma_wait3A_75, %dma_wait3A_76] : memref<128x32xf32, #tpu.memory_space<vmem>> -> memref<64x32xf32, #tpu.memory_space<vmem>>
          tpu.wait_dma2 semaphore(%run_scoped3A : memref<!tpu.dma_semaphore, #tpu.memory_space<semaphore_mem>>) src(%dma_wait3A_77 : memref<64x32xf32, #tpu.memory_space<vmem>>) dst(%dma_wait3A_70 : memref<64x32xf32, #tpu.memory_space<hbm>>)
          tpu.yield
        }) : () -> ()
      } else {
      }
      %scan3A_43 = arith.constant 0 : i32
      scf.yield %scan3A_43 : i32
    }
    %scan3A_30 = arith.constant 49 : i32
    return
  }
}

#map = affine_map<(d0, d1) -> (0, 0)>
#map1 = affine_map<(d0, d1) -> (0)>
module attributes {stable_mosaic.version = 14 : i64} {
  func.func @_deg_body(%arg0: i32, %arg1: i32, %arg2: memref<6400x128xi32, #tpu.memory_space<hbm>>, %arg3: memref<50176xf32, #tpu.memory_space<hbm>>, %arg4: memref<50176xf32, #tpu.memory_space<hbm>>, %arg5: memref<200x128xi32, #tpu.memory_space<vmem>>, %arg6: memref<128xf32, #tpu.memory_space<vmem>>, %arg7: memref<3136xf32, #tpu.memory_space<vmem>>, %arg8: memref<50176xf32, #tpu.memory_space<vmem_shared>>, %arg9: memref<!tpu.dma_semaphore, #tpu.memory_space<semaphore_mem>>) attributes {dimension_semantics = [#tpu.dimension_semantics<core_parallel>, #tpu.dimension_semantics<subcore_parallel>], iteration_bounds = array<i64: 2, 16>, scalar_prefetch = 0 : i64, scratch_operands = 5 : i64, tpu.core_type = #tpu.core_type<sc_vector_subcore>, window_params = [{transform_indices = #map}, {transform_indices = #map1}, {transform_indices = #map1}]} {
    %mul3A = arith.constant 2 : i32
    %mul3A_0 = arith.muli %arg1, %mul3A : i32
    %add3A = arith.addi %mul3A_0, %arg0 : i32
    %broadcast_in_dim3A = arith.constant 1.000000e+00 : f32
    %broadcast_in_dim3A_1 = vector.broadcast %broadcast_in_dim3A : f32 to vector<16xf32>
    %swap3A = arith.constant 0 : index
    %swap3A_2 = tpu.vector_load %arg6[%swap3A] {strides = array<i32>} : memref<128xf32, #tpu.memory_space<vmem>>, vector<16xf32>,
    %swap3A_3 = vector.shape_cast %swap3A_2 : vector<16xf32> to vector<16xf32>
    %swap3A_4 = vector.shape_cast %broadcast_in_dim3A_1 : vector<16xf32> to vector<16xf32>
    tpu.vector_store %arg6[%swap3A], %swap3A_4 {strides = array<i32>} : memref<128xf32, #tpu.memory_space<vmem>>, vector<16xf32>,
    %swap3A_5 = arith.constant 16 : index
    %swap3A_6 = tpu.vector_load %arg6[%swap3A_5] {strides = array<i32>} : memref<128xf32, #tpu.memory_space<vmem>>, vector<16xf32>,
    %swap3A_7 = vector.shape_cast %swap3A_6 : vector<16xf32> to vector<16xf32>
    %swap3A_8 = vector.shape_cast %broadcast_in_dim3A_1 : vector<16xf32> to vector<16xf32>
    tpu.vector_store %arg6[%swap3A_5], %swap3A_8 {strides = array<i32>} : memref<128xf32, #tpu.memory_space<vmem>>, vector<16xf32>,
    %swap3A_9 = arith.constant 32 : index
    %swap3A_10 = tpu.vector_load %arg6[%swap3A_9] {strides = array<i32>} : memref<128xf32, #tpu.memory_space<vmem>>, vector<16xf32>,
    %swap3A_11 = vector.shape_cast %swap3A_10 : vector<16xf32> to vector<16xf32>
    %swap3A_12 = vector.shape_cast %broadcast_in_dim3A_1 : vector<16xf32> to vector<16xf32>
    tpu.vector_store %arg6[%swap3A_9], %swap3A_12 {strides = array<i32>} : memref<128xf32, #tpu.memory_space<vmem>>, vector<16xf32>,
    %swap3A_13 = arith.constant 48 : index
    %swap3A_14 = tpu.vector_load %arg6[%swap3A_13] {strides = array<i32>} : memref<128xf32, #tpu.memory_space<vmem>>, vector<16xf32>,
    %swap3A_15 = vector.shape_cast %swap3A_14 : vector<16xf32> to vector<16xf32>
    %swap3A_16 = vector.shape_cast %broadcast_in_dim3A_1 : vector<16xf32> to vector<16xf32>
    tpu.vector_store %arg6[%swap3A_13], %swap3A_16 {strides = array<i32>} : memref<128xf32, #tpu.memory_space<vmem>>, vector<16xf32>,
    %swap3A_17 = arith.constant 64 : index
    %swap3A_18 = tpu.vector_load %arg6[%swap3A_17] {strides = array<i32>} : memref<128xf32, #tpu.memory_space<vmem>>, vector<16xf32>,
    %swap3A_19 = vector.shape_cast %swap3A_18 : vector<16xf32> to vector<16xf32>
    %swap3A_20 = vector.shape_cast %broadcast_in_dim3A_1 : vector<16xf32> to vector<16xf32>
    tpu.vector_store %arg6[%swap3A_17], %swap3A_20 {strides = array<i32>} : memref<128xf32, #tpu.memory_space<vmem>>, vector<16xf32>,
    %swap3A_21 = arith.constant 80 : index
    %swap3A_22 = tpu.vector_load %arg6[%swap3A_21] {strides = array<i32>} : memref<128xf32, #tpu.memory_space<vmem>>, vector<16xf32>,
    %swap3A_23 = vector.shape_cast %swap3A_22 : vector<16xf32> to vector<16xf32>
    %swap3A_24 = vector.shape_cast %broadcast_in_dim3A_1 : vector<16xf32> to vector<16xf32>
    tpu.vector_store %arg6[%swap3A_21], %swap3A_24 {strides = array<i32>} : memref<128xf32, #tpu.memory_space<vmem>>, vector<16xf32>,
    %swap3A_25 = arith.constant 96 : index
    %swap3A_26 = tpu.vector_load %arg6[%swap3A_25] {strides = array<i32>} : memref<128xf32, #tpu.memory_space<vmem>>, vector<16xf32>,
    %swap3A_27 = vector.shape_cast %swap3A_26 : vector<16xf32> to vector<16xf32>
    %swap3A_28 = vector.shape_cast %broadcast_in_dim3A_1 : vector<16xf32> to vector<16xf32>
    tpu.vector_store %arg6[%swap3A_25], %swap3A_28 {strides = array<i32>} : memref<128xf32, #tpu.memory_space<vmem>>, vector<16xf32>,
    %swap3A_29 = arith.constant 112 : index
    %swap3A_30 = tpu.vector_load %arg6[%swap3A_29] {strides = array<i32>} : memref<128xf32, #tpu.memory_space<vmem>>, vector<16xf32>,
    %swap3A_31 = vector.shape_cast %swap3A_30 : vector<16xf32> to vector<16xf32>
    %swap3A_32 = vector.shape_cast %broadcast_in_dim3A_1 : vector<16xf32> to vector<16xf32>
    tpu.vector_store %arg6[%swap3A_29], %swap3A_32 {strides = array<i32>} : memref<128xf32, #tpu.memory_space<vmem>>, vector<16xf32>,
    %broadcast_in_dim3A_33 = arith.constant 0.000000e+00 : f32
    %broadcast_in_dim3A_34 = vector.broadcast %broadcast_in_dim3A_33 : f32 to vector<16xf32>
    %scan3A = arith.constant 0 : i32
    %scan3A_35 = arith.constant 0 : i32
    %scan3A_36 = arith.constant 196 : i32
    %scan3A_37 = arith.addi %scan3A_35, %scan3A_36 : i32
    %scan3A_38 = arith.constant 1 : i32
    %scan3A_39 = scf.for %scan3A_62 = %scan3A_35 to %scan3A_37 step %scan3A_38 iter_args(%scan3A_63 = %scan3A) -> (i32)  : i32 {
      %mul3A_64 = arith.constant 16 : i32
      %mul3A_65 = arith.muli %scan3A_62, %mul3A_64 : i32
      %swap3A_66 = arith.index_cast %mul3A_65 : i32 to index
      %swap3A_67 = tpu.vector_load %arg7[%swap3A_66] {strides = array<i32>} : memref<3136xf32, #tpu.memory_space<vmem>>, vector<16xf32>,
      %swap3A_68 = vector.shape_cast %swap3A_67 : vector<16xf32> to vector<16xf32>
      %swap3A_69 = vector.shape_cast %broadcast_in_dim3A_34 : vector<16xf32> to vector<16xf32>
      tpu.vector_store %arg7[%swap3A_66], %swap3A_69 {strides = array<i32>} : memref<3136xf32, #tpu.memory_space<vmem>>, vector<16xf32>,
      %scan3A_70 = arith.constant 0 : i32
      scf.yield %scan3A_70 : i32
    }
    %scan3A_40 = arith.constant 196 : i32
    %mul3A_41 = arith.constant 3136 : i32
    %mul3A_42 = arith.muli %arg1, %mul3A_41 : i32
    "tpu.region"() ({
      %run_scoped3A = tpu.sem_alloc : memref<!tpu.dma_semaphore, #tpu.memory_space<semaphore_mem>>
      %dma_start3A = tpu.memref_slice %arg8[%mul3A_42] : memref<50176xf32, #tpu.memory_space<vmem_shared>> -> memref<3136xf32, #tpu.memory_space<vmem_shared>>
      %dma_start3A_62 = tpu.memref_slice %arg8[%mul3A_42] : memref<50176xf32, #tpu.memory_space<vmem_shared>> -> memref<3136xf32, #tpu.memory_space<vmem_shared>>
      tpu.enqueue_dma source(%arg7 : memref<3136xf32, #tpu.memory_space<vmem>>) target(%dma_start3A_62 : memref<3136xf32, #tpu.memory_space<vmem_shared>>) target_semaphore(%run_scoped3A : memref<!tpu.dma_semaphore, #tpu.memory_space<semaphore_mem>>)
      %dma_wait3A = tpu.memref_slice %arg8[%mul3A_42] : memref<50176xf32, #tpu.memory_space<vmem_shared>> -> memref<3136xf32, #tpu.memory_space<vmem_shared>>
      %dma_wait3A_63 = tpu.memref_slice %arg8[%mul3A_42] : memref<50176xf32, #tpu.memory_space<vmem_shared>> -> memref<3136xf32, #tpu.memory_space<vmem_shared>>
      tpu.wait_dma2 semaphore(%run_scoped3A : memref<!tpu.dma_semaphore, #tpu.memory_space<semaphore_mem>>) src(%arg7 : memref<3136xf32, #tpu.memory_space<vmem>>) dst(%dma_wait3A_63 : memref<3136xf32, #tpu.memory_space<vmem_shared>>)
      tpu.yield
    }) : () -> ()
    %mul3A_43 = arith.constant 200 : i32
    %mul3A_44 = arith.muli %add3A, %mul3A_43 : i32
    "tpu.region"() ({
      %run_scoped3A = tpu.sem_alloc : memref<!tpu.dma_semaphore, #tpu.memory_space<semaphore_mem>>
      %dma_start3A = arith.constant 0 : i32
      %dma_start3A_62 = tpu.memref_slice %arg2[%mul3A_44, %dma_start3A] : memref<6400x128xi32, #tpu.memory_space<hbm>> -> memref<200x128xi32, #tpu.memory_space<hbm>>
      %dma_start3A_63 = arith.constant 0 : i32
      %dma_start3A_64 = tpu.memref_slice %arg2[%mul3A_44, %dma_start3A_63] : memref<6400x128xi32, #tpu.memory_space<hbm>> -> memref<200x128xi32, #tpu.memory_space<hbm>>
      tpu.enqueue_dma source(%dma_start3A_64 : memref<200x128xi32, #tpu.memory_space<hbm>>) target(%arg5 : memref<200x128xi32, #tpu.memory_space<vmem>>) target_semaphore(%run_scoped3A : memref<!tpu.dma_semaphore, #tpu.memory_space<semaphore_mem>>)
      %dma_wait3A = arith.constant 0 : i32
      %dma_wait3A_65 = tpu.memref_slice %arg2[%mul3A_44, %dma_wait3A] : memref<6400x128xi32, #tpu.memory_space<hbm>> -> memref<200x128xi32, #tpu.memory_space<hbm>>
      %dma_wait3A_66 = arith.constant 0 : i32
      %dma_wait3A_67 = tpu.memref_slice %arg2[%mul3A_44, %dma_wait3A_66] : memref<6400x128xi32, #tpu.memory_space<hbm>> -> memref<200x128xi32, #tpu.memory_space<hbm>>
      tpu.wait_dma2 semaphore(%run_scoped3A : memref<!tpu.dma_semaphore, #tpu.memory_space<semaphore_mem>>) src(%dma_wait3A_67 : memref<200x128xi32, #tpu.memory_space<hbm>>) dst(%arg5 : memref<200x128xi32, #tpu.memory_space<vmem>>)
      tpu.yield
    }) : () -> ()
    %barrier3A = arith.constant 0 : index
    tpu.barrier barrier_id(%barrier3A)
    %scan3A_45 = arith.constant 0 : i32
    %scan3A_46 = arith.constant 0 : i32
    %scan3A_47 = arith.constant 25 : i32
    %scan3A_48 = arith.addi %scan3A_46, %scan3A_47 : i32
    %scan3A_49 = arith.constant 1 : i32
    %scan3A_50 = scf.for %scan3A_62 = %scan3A_46 to %scan3A_48 step %scan3A_49 iter_args(%scan3A_63 = %scan3A_45) -> (i32)  : i32 {
      %mul3A_64 = arith.constant 8 : i32
      %mul3A_65 = arith.muli %scan3A_62, %mul3A_64 : i32
      %add3A_66 = arith.constant 0 : i32
      %add3A_67 = arith.addi %mul3A_65, %add3A_66 : i32
      %dma_start3A = arith.constant 0 : i32
      %dma_start3A_68 = tpu.memref_slice %arg5[%add3A_67, %dma_start3A] : memref<200x128xi32, #tpu.memory_space<vmem>> -> memref<1x128xi32, #tpu.memory_space<vmem>>
      %dma_start3A_69 = tpu.memref_squeeze %dma_start3A_68 : memref<1x128xi32, #tpu.memory_space<vmem>> -> memref<128xi32, #tpu.memory_space<vmem>>
      %dma_start3A_70 = arith.constant 0 : i32
      %dma_start3A_71 = tpu.memref_slice %arg8[%dma_start3A_70] : memref<50176xf32, #tpu.memory_space<vmem_shared>> -> memref<50176xf32, #tpu.memory_space<vmem_shared>>
      tpu.enqueue_indirect_dma source(%arg6 : memref<128xf32, #tpu.memory_space<vmem>>) target(%dma_start3A_71 : memref<50176xf32, #tpu.memory_space<vmem_shared>>) offsets(%dma_start3A_69 : memref<128xi32, #tpu.memory_space<vmem>>) semaphore(%arg9 : memref<!tpu.dma_semaphore, #tpu.memory_space<semaphore_mem>>) {add = true}
      %mul3A_72 = arith.constant 8 : i32
      %mul3A_73 = arith.muli %scan3A_62, %mul3A_72 : i32
      %add3A_74 = arith.constant 1 : i32
      %add3A_75 = arith.addi %mul3A_73, %add3A_74 : i32
      %dma_start3A_76 = arith.constant 0 : i32
      %dma_start3A_77 = tpu.memref_slice %arg5[%add3A_75, %dma_start3A_76] : memref<200x128xi32, #tpu.memory_space<vmem>> -> memref<1x128xi32, #tpu.memory_space<vmem>>
      %dma_start3A_78 = tpu.memref_squeeze %dma_start3A_77 : memref<1x128xi32, #tpu.memory_space<vmem>> -> memref<128xi32, #tpu.memory_space<vmem>>
      %dma_start3A_79 = arith.constant 0 : i32
      %dma_start3A_80 = tpu.memref_slice %arg8[%dma_start3A_79] : memref<50176xf32, #tpu.memory_space<vmem_shared>> -> memref<50176xf32, #tpu.memory_space<vmem_shared>>
      tpu.enqueue_indirect_dma source(%arg6 : memref<128xf32, #tpu.memory_space<vmem>>) target(%dma_start3A_80 : memref<50176xf32, #tpu.memory_space<vmem_shared>>) offsets(%dma_start3A_78 : memref<128xi32, #tpu.memory_space<vmem>>) semaphore(%arg9 : memref<!tpu.dma_semaphore, #tpu.memory_space<semaphore_mem>>) {add = true}
      %mul3A_81 = arith.constant 8 : i32
      %mul3A_82 = arith.muli %scan3A_62, %mul3A_81 : i32
      %add3A_83 = arith.constant 2 : i32
      %add3A_84 = arith.addi %mul3A_82, %add3A_83 : i32
      %dma_start3A_85 = arith.constant 0 : i32
      %dma_start3A_86 = tpu.memref_slice %arg5[%add3A_84, %dma_start3A_85] : memref<200x128xi32, #tpu.memory_space<vmem>> -> memref<1x128xi32, #tpu.memory_space<vmem>>
      %dma_start3A_87 = tpu.memref_squeeze %dma_start3A_86 : memref<1x128xi32, #tpu.memory_space<vmem>> -> memref<128xi32, #tpu.memory_space<vmem>>
      %dma_start3A_88 = arith.constant 0 : i32
      %dma_start3A_89 = tpu.memref_slice %arg8[%dma_start3A_88] : memref<50176xf32, #tpu.memory_space<vmem_shared>> -> memref<50176xf32, #tpu.memory_space<vmem_shared>>
      tpu.enqueue_indirect_dma source(%arg6 : memref<128xf32, #tpu.memory_space<vmem>>) target(%dma_start3A_89 : memref<50176xf32, #tpu.memory_space<vmem_shared>>) offsets(%dma_start3A_87 : memref<128xi32, #tpu.memory_space<vmem>>) semaphore(%arg9 : memref<!tpu.dma_semaphore, #tpu.memory_space<semaphore_mem>>) {add = true}
      %mul3A_90 = arith.constant 8 : i32
      %mul3A_91 = arith.muli %scan3A_62, %mul3A_90 : i32
      %add3A_92 = arith.constant 3 : i32
      %add3A_93 = arith.addi %mul3A_91, %add3A_92 : i32
      %dma_start3A_94 = arith.constant 0 : i32
      %dma_start3A_95 = tpu.memref_slice %arg5[%add3A_93, %dma_start3A_94] : memref<200x128xi32, #tpu.memory_space<vmem>> -> memref<1x128xi32, #tpu.memory_space<vmem>>
      %dma_start3A_96 = tpu.memref_squeeze %dma_start3A_95 : memref<1x128xi32, #tpu.memory_space<vmem>> -> memref<128xi32, #tpu.memory_space<vmem>>
      %dma_start3A_97 = arith.constant 0 : i32
      %dma_start3A_98 = tpu.memref_slice %arg8[%dma_start3A_97] : memref<50176xf32, #tpu.memory_space<vmem_shared>> -> memref<50176xf32, #tpu.memory_space<vmem_shared>>
      tpu.enqueue_indirect_dma source(%arg6 : memref<128xf32, #tpu.memory_space<vmem>>) target(%dma_start3A_98 : memref<50176xf32, #tpu.memory_space<vmem_shared>>) offsets(%dma_start3A_96 : memref<128xi32, #tpu.memory_space<vmem>>) semaphore(%arg9 : memref<!tpu.dma_semaphore, #tpu.memory_space<semaphore_mem>>) {add = true}
      %mul3A_99 = arith.constant 8 : i32
      %mul3A_100 = arith.muli %scan3A_62, %mul3A_99 : i32
      %add3A_101 = arith.constant 4 : i32
      %add3A_102 = arith.addi %mul3A_100, %add3A_101 : i32
      %dma_start3A_103 = arith.constant 0 : i32
      %dma_start3A_104 = tpu.memref_slice %arg5[%add3A_102, %dma_start3A_103] : memref<200x128xi32, #tpu.memory_space<vmem>> -> memref<1x128xi32, #tpu.memory_space<vmem>>
      %dma_start3A_105 = tpu.memref_squeeze %dma_start3A_104 : memref<1x128xi32, #tpu.memory_space<vmem>> -> memref<128xi32, #tpu.memory_space<vmem>>
      %dma_start3A_106 = arith.constant 0 : i32
      %dma_start3A_107 = tpu.memref_slice %arg8[%dma_start3A_106] : memref<50176xf32, #tpu.memory_space<vmem_shared>> -> memref<50176xf32, #tpu.memory_space<vmem_shared>>
      tpu.enqueue_indirect_dma source(%arg6 : memref<128xf32, #tpu.memory_space<vmem>>) target(%dma_start3A_107 : memref<50176xf32, #tpu.memory_space<vmem_shared>>) offsets(%dma_start3A_105 : memref<128xi32, #tpu.memory_space<vmem>>) semaphore(%arg9 : memref<!tpu.dma_semaphore, #tpu.memory_space<semaphore_mem>>) {add = true}
      %mul3A_108 = arith.constant 8 : i32
      %mul3A_109 = arith.muli %scan3A_62, %mul3A_108 : i32
      %add3A_110 = arith.constant 5 : i32
      %add3A_111 = arith.addi %mul3A_109, %add3A_110 : i32
      %dma_start3A_112 = arith.constant 0 : i32
      %dma_start3A_113 = tpu.memref_slice %arg5[%add3A_111, %dma_start3A_112] : memref<200x128xi32, #tpu.memory_space<vmem>> -> memref<1x128xi32, #tpu.memory_space<vmem>>
      %dma_start3A_114 = tpu.memref_squeeze %dma_start3A_113 : memref<1x128xi32, #tpu.memory_space<vmem>> -> memref<128xi32, #tpu.memory_space<vmem>>
      %dma_start3A_115 = arith.constant 0 : i32
      %dma_start3A_116 = tpu.memref_slice %arg8[%dma_start3A_115] : memref<50176xf32, #tpu.memory_space<vmem_shared>> -> memref<50176xf32, #tpu.memory_space<vmem_shared>>
      tpu.enqueue_indirect_dma source(%arg6 : memref<128xf32, #tpu.memory_space<vmem>>) target(%dma_start3A_116 : memref<50176xf32, #tpu.memory_space<vmem_shared>>) offsets(%dma_start3A_114 : memref<128xi32, #tpu.memory_space<vmem>>) semaphore(%arg9 : memref<!tpu.dma_semaphore, #tpu.memory_space<semaphore_mem>>) {add = true}
      %mul3A_117 = arith.constant 8 : i32
      %mul3A_118 = arith.muli %scan3A_62, %mul3A_117 : i32
      %add3A_119 = arith.constant 6 : i32
      %add3A_120 = arith.addi %mul3A_118, %add3A_119 : i32
      %dma_start3A_121 = arith.constant 0 : i32
      %dma_start3A_122 = tpu.memref_slice %arg5[%add3A_120, %dma_start3A_121] : memref<200x128xi32, #tpu.memory_space<vmem>> -> memref<1x128xi32, #tpu.memory_space<vmem>>
      %dma_start3A_123 = tpu.memref_squeeze %dma_start3A_122 : memref<1x128xi32, #tpu.memory_space<vmem>> -> memref<128xi32, #tpu.memory_space<vmem>>
      %dma_start3A_124 = arith.constant 0 : i32
      %dma_start3A_125 = tpu.memref_slice %arg8[%dma_start3A_124] : memref<50176xf32, #tpu.memory_space<vmem_shared>> -> memref<50176xf32, #tpu.memory_space<vmem_shared>>
      tpu.enqueue_indirect_dma source(%arg6 : memref<128xf32, #tpu.memory_space<vmem>>) target(%dma_start3A_125 : memref<50176xf32, #tpu.memory_space<vmem_shared>>) offsets(%dma_start3A_123 : memref<128xi32, #tpu.memory_space<vmem>>) semaphore(%arg9 : memref<!tpu.dma_semaphore, #tpu.memory_space<semaphore_mem>>) {add = true}
      %mul3A_126 = arith.constant 8 : i32
      %mul3A_127 = arith.muli %scan3A_62, %mul3A_126 : i32
      %add3A_128 = arith.constant 7 : i32
      %add3A_129 = arith.addi %mul3A_127, %add3A_128 : i32
      %dma_start3A_130 = arith.constant 0 : i32
      %dma_start3A_131 = tpu.memref_slice %arg5[%add3A_129, %dma_start3A_130] : memref<200x128xi32, #tpu.memory_space<vmem>> -> memref<1x128xi32, #tpu.memory_space<vmem>>
      %dma_start3A_132 = tpu.memref_squeeze %dma_start3A_131 : memref<1x128xi32, #tpu.memory_space<vmem>> -> memref<128xi32, #tpu.memory_space<vmem>>
      %dma_start3A_133 = arith.constant 0 : i32
      %dma_start3A_134 = tpu.memref_slice %arg8[%dma_start3A_133] : memref<50176xf32, #tpu.memory_space<vmem_shared>> -> memref<50176xf32, #tpu.memory_space<vmem_shared>>
      tpu.enqueue_indirect_dma source(%arg6 : memref<128xf32, #tpu.memory_space<vmem>>) target(%dma_start3A_134 : memref<50176xf32, #tpu.memory_space<vmem_shared>>) offsets(%dma_start3A_132 : memref<128xi32, #tpu.memory_space<vmem>>) semaphore(%arg9 : memref<!tpu.dma_semaphore, #tpu.memory_space<semaphore_mem>>) {add = true}
      %mul3A_135 = arith.constant 8 : i32
      %mul3A_136 = arith.muli %scan3A_62, %mul3A_135 : i32
      %add3A_137 = arith.constant 0 : i32
      %add3A_138 = arith.addi %mul3A_136, %add3A_137 : i32
      %dma_wait3A = arith.constant 0 : i32
      %dma_wait3A_139 = tpu.memref_slice %arg5[%add3A_138, %dma_wait3A] : memref<200x128xi32, #tpu.memory_space<vmem>> -> memref<1x128xi32, #tpu.memory_space<vmem>>
      %dma_wait3A_140 = tpu.memref_squeeze %dma_wait3A_139 : memref<1x128xi32, #tpu.memory_space<vmem>> -> memref<128xi32, #tpu.memory_space<vmem>>
      %dma_wait3A_141 = arith.constant 0 : i32
      %dma_wait3A_142 = tpu.memref_slice %arg8[%dma_wait3A_141] : memref<50176xf32, #tpu.memory_space<vmem_shared>> -> memref<50176xf32, #tpu.memory_space<vmem_shared>>
      tpu.wait_indirect_dma semaphore(%arg9 : memref<!tpu.dma_semaphore, #tpu.memory_space<semaphore_mem>>) src(%arg6 : memref<128xf32, #tpu.memory_space<vmem>>) dst(%dma_wait3A_142 : memref<50176xf32, #tpu.memory_space<vmem_shared>>)
      %mul3A_143 = arith.constant 8 : i32
      %mul3A_144 = arith.muli %scan3A_62, %mul3A_143 : i32
      %add3A_145 = arith.constant 1 : i32
      %add3A_146 = arith.addi %mul3A_144, %add3A_145 : i32
      %dma_wait3A_147 = arith.constant 0 : i32
      %dma_wait3A_148 = tpu.memref_slice %arg5[%add3A_146, %dma_wait3A_147] : memref<200x128xi32, #tpu.memory_space<vmem>> -> memref<1x128xi32, #tpu.memory_space<vmem>>
      %dma_wait3A_149 = tpu.memref_squeeze %dma_wait3A_148 : memref<1x128xi32, #tpu.memory_space<vmem>> -> memref<128xi32, #tpu.memory_space<vmem>>
      %dma_wait3A_150 = arith.constant 0 : i32
      %dma_wait3A_151 = tpu.memref_slice %arg8[%dma_wait3A_150] : memref<50176xf32, #tpu.memory_space<vmem_shared>> -> memref<50176xf32, #tpu.memory_space<vmem_shared>>
      tpu.wait_indirect_dma semaphore(%arg9 : memref<!tpu.dma_semaphore, #tpu.memory_space<semaphore_mem>>) src(%arg6 : memref<128xf32, #tpu.memory_space<vmem>>) dst(%dma_wait3A_151 : memref<50176xf32, #tpu.memory_space<vmem_shared>>)
      %mul3A_152 = arith.constant 8 : i32
      %mul3A_153 = arith.muli %scan3A_62, %mul3A_152 : i32
      %add3A_154 = arith.constant 2 : i32
      %add3A_155 = arith.addi %mul3A_153, %add3A_154 : i32
      %dma_wait3A_156 = arith.constant 0 : i32
      %dma_wait3A_157 = tpu.memref_slice %arg5[%add3A_155, %dma_wait3A_156] : memref<200x128xi32, #tpu.memory_space<vmem>> -> memref<1x128xi32, #tpu.memory_space<vmem>>
      %dma_wait3A_158 = tpu.memref_squeeze %dma_wait3A_157 : memref<1x128xi32, #tpu.memory_space<vmem>> -> memref<128xi32, #tpu.memory_space<vmem>>
      %dma_wait3A_159 = arith.constant 0 : i32
      %dma_wait3A_160 = tpu.memref_slice %arg8[%dma_wait3A_159] : memref<50176xf32, #tpu.memory_space<vmem_shared>> -> memref<50176xf32, #tpu.memory_space<vmem_shared>>
      tpu.wait_indirect_dma semaphore(%arg9 : memref<!tpu.dma_semaphore, #tpu.memory_space<semaphore_mem>>) src(%arg6 : memref<128xf32, #tpu.memory_space<vmem>>) dst(%dma_wait3A_160 : memref<50176xf32, #tpu.memory_space<vmem_shared>>)
      %mul3A_161 = arith.constant 8 : i32
      %mul3A_162 = arith.muli %scan3A_62, %mul3A_161 : i32
      %add3A_163 = arith.constant 3 : i32
      %add3A_164 = arith.addi %mul3A_162, %add3A_163 : i32
      %dma_wait3A_165 = arith.constant 0 : i32
      %dma_wait3A_166 = tpu.memref_slice %arg5[%add3A_164, %dma_wait3A_165] : memref<200x128xi32, #tpu.memory_space<vmem>> -> memref<1x128xi32, #tpu.memory_space<vmem>>
      %dma_wait3A_167 = tpu.memref_squeeze %dma_wait3A_166 : memref<1x128xi32, #tpu.memory_space<vmem>> -> memref<128xi32, #tpu.memory_space<vmem>>
      %dma_wait3A_168 = arith.constant 0 : i32
      %dma_wait3A_169 = tpu.memref_slice %arg8[%dma_wait3A_168] : memref<50176xf32, #tpu.memory_space<vmem_shared>> -> memref<50176xf32, #tpu.memory_space<vmem_shared>>
      tpu.wait_indirect_dma semaphore(%arg9 : memref<!tpu.dma_semaphore, #tpu.memory_space<semaphore_mem>>) src(%arg6 : memref<128xf32, #tpu.memory_space<vmem>>) dst(%dma_wait3A_169 : memref<50176xf32, #tpu.memory_space<vmem_shared>>)
      %mul3A_170 = arith.constant 8 : i32
      %mul3A_171 = arith.muli %scan3A_62, %mul3A_170 : i32
      %add3A_172 = arith.constant 4 : i32
      %add3A_173 = arith.addi %mul3A_171, %add3A_172 : i32
      %dma_wait3A_174 = arith.constant 0 : i32
      %dma_wait3A_175 = tpu.memref_slice %arg5[%add3A_173, %dma_wait3A_174] : memref<200x128xi32, #tpu.memory_space<vmem>> -> memref<1x128xi32, #tpu.memory_space<vmem>>
      %dma_wait3A_176 = tpu.memref_squeeze %dma_wait3A_175 : memref<1x128xi32, #tpu.memory_space<vmem>> -> memref<128xi32, #tpu.memory_space<vmem>>
      %dma_wait3A_177 = arith.constant 0 : i32
      %dma_wait3A_178 = tpu.memref_slice %arg8[%dma_wait3A_177] : memref<50176xf32, #tpu.memory_space<vmem_shared>> -> memref<50176xf32, #tpu.memory_space<vmem_shared>>
      tpu.wait_indirect_dma semaphore(%arg9 : memref<!tpu.dma_semaphore, #tpu.memory_space<semaphore_mem>>) src(%arg6 : memref<128xf32, #tpu.memory_space<vmem>>) dst(%dma_wait3A_178 : memref<50176xf32, #tpu.memory_space<vmem_shared>>)
      %mul3A_179 = arith.constant 8 : i32
      %mul3A_180 = arith.muli %scan3A_62, %mul3A_179 : i32
      %add3A_181 = arith.constant 5 : i32
      %add3A_182 = arith.addi %mul3A_180, %add3A_181 : i32
      %dma_wait3A_183 = arith.constant 0 : i32
      %dma_wait3A_184 = tpu.memref_slice %arg5[%add3A_182, %dma_wait3A_183] : memref<200x128xi32, #tpu.memory_space<vmem>> -> memref<1x128xi32, #tpu.memory_space<vmem>>
      %dma_wait3A_185 = tpu.memref_squeeze %dma_wait3A_184 : memref<1x128xi32, #tpu.memory_space<vmem>> -> memref<128xi32, #tpu.memory_space<vmem>>
      %dma_wait3A_186 = arith.constant 0 : i32
      %dma_wait3A_187 = tpu.memref_slice %arg8[%dma_wait3A_186] : memref<50176xf32, #tpu.memory_space<vmem_shared>> -> memref<50176xf32, #tpu.memory_space<vmem_shared>>
      tpu.wait_indirect_dma semaphore(%arg9 : memref<!tpu.dma_semaphore, #tpu.memory_space<semaphore_mem>>) src(%arg6 : memref<128xf32, #tpu.memory_space<vmem>>) dst(%dma_wait3A_187 : memref<50176xf32, #tpu.memory_space<vmem_shared>>)
      %mul3A_188 = arith.constant 8 : i32
      %mul3A_189 = arith.muli %scan3A_62, %mul3A_188 : i32
      %add3A_190 = arith.constant 6 : i32
      %add3A_191 = arith.addi %mul3A_189, %add3A_190 : i32
      %dma_wait3A_192 = arith.constant 0 : i32
      %dma_wait3A_193 = tpu.memref_slice %arg5[%add3A_191, %dma_wait3A_192] : memref<200x128xi32, #tpu.memory_space<vmem>> -> memref<1x128xi32, #tpu.memory_space<vmem>>
      %dma_wait3A_194 = tpu.memref_squeeze %dma_wait3A_193 : memref<1x128xi32, #tpu.memory_space<vmem>> -> memref<128xi32, #tpu.memory_space<vmem>>
      %dma_wait3A_195 = arith.constant 0 : i32
      %dma_wait3A_196 = tpu.memref_slice %arg8[%dma_wait3A_195] : memref<50176xf32, #tpu.memory_space<vmem_shared>> -> memref<50176xf32, #tpu.memory_space<vmem_shared>>
      tpu.wait_indirect_dma semaphore(%arg9 : memref<!tpu.dma_semaphore, #tpu.memory_space<semaphore_mem>>) src(%arg6 : memref<128xf32, #tpu.memory_space<vmem>>) dst(%dma_wait3A_196 : memref<50176xf32, #tpu.memory_space<vmem_shared>>)
      %mul3A_197 = arith.constant 8 : i32
      %mul3A_198 = arith.muli %scan3A_62, %mul3A_197 : i32
      %add3A_199 = arith.constant 7 : i32
      %add3A_200 = arith.addi %mul3A_198, %add3A_199 : i32
      %dma_wait3A_201 = arith.constant 0 : i32
      %dma_wait3A_202 = tpu.memref_slice %arg5[%add3A_200, %dma_wait3A_201] : memref<200x128xi32, #tpu.memory_space<vmem>> -> memref<1x128xi32, #tpu.memory_space<vmem>>
      %dma_wait3A_203 = tpu.memref_squeeze %dma_wait3A_202 : memref<1x128xi32, #tpu.memory_space<vmem>> -> memref<128xi32, #tpu.memory_space<vmem>>
      %dma_wait3A_204 = arith.constant 0 : i32
      %dma_wait3A_205 = tpu.memref_slice %arg8[%dma_wait3A_204] : memref<50176xf32, #tpu.memory_space<vmem_shared>> -> memref<50176xf32, #tpu.memory_space<vmem_shared>>
      tpu.wait_indirect_dma semaphore(%arg9 : memref<!tpu.dma_semaphore, #tpu.memory_space<semaphore_mem>>) src(%arg6 : memref<128xf32, #tpu.memory_space<vmem>>) dst(%dma_wait3A_205 : memref<50176xf32, #tpu.memory_space<vmem_shared>>)
      %scan3A_206 = arith.constant 0 : i32
      scf.yield %scan3A_206 : i32
    }
    %scan3A_51 = arith.constant 25 : i32
    %barrier3A_52 = arith.constant 0 : index
    tpu.barrier barrier_id(%barrier3A_52)
    %mul3A_53 = arith.constant 3136 : i32
    %mul3A_54 = arith.muli %arg1, %mul3A_53 : i32
    "tpu.region"() ({
      %run_scoped3A = tpu.sem_alloc : memref<!tpu.dma_semaphore, #tpu.memory_space<semaphore_mem>>
      %dma_start3A = tpu.memref_slice %arg8[%mul3A_54] : memref<50176xf32, #tpu.memory_space<vmem_shared>> -> memref<3136xf32, #tpu.memory_space<vmem_shared>>
      %dma_start3A_62 = tpu.memref_slice %arg8[%mul3A_54] : memref<50176xf32, #tpu.memory_space<vmem_shared>> -> memref<3136xf32, #tpu.memory_space<vmem_shared>>
      tpu.enqueue_dma source(%dma_start3A_62 : memref<3136xf32, #tpu.memory_space<vmem_shared>>) target(%arg7 : memref<3136xf32, #tpu.memory_space<vmem>>) target_semaphore(%run_scoped3A : memref<!tpu.dma_semaphore, #tpu.memory_space<semaphore_mem>>)
      %dma_wait3A = tpu.memref_slice %arg8[%mul3A_54] : memref<50176xf32, #tpu.memory_space<vmem_shared>> -> memref<3136xf32, #tpu.memory_space<vmem_shared>>
      %dma_wait3A_63 = tpu.memref_slice %arg8[%mul3A_54] : memref<50176xf32, #tpu.memory_space<vmem_shared>> -> memref<3136xf32, #tpu.memory_space<vmem_shared>>
      tpu.wait_dma2 semaphore(%run_scoped3A : memref<!tpu.dma_semaphore, #tpu.memory_space<semaphore_mem>>) src(%dma_wait3A_63 : memref<3136xf32, #tpu.memory_space<vmem_shared>>) dst(%arg7 : memref<3136xf32, #tpu.memory_space<vmem>>)
      tpu.yield
    }) : () -> ()
    %eq3A = arith.constant 0 : i32
    %eq3A_55 = arith.cmpi eq, %arg0, %eq3A : i32
    %convert_element_type3A = arith.extui %eq3A_55 : i1 to i32
    %cond3A = arith.constant 0 : i32
    %cond3A_56 = arith.cmpi ne, %convert_element_type3A, %cond3A : i32
    scf.if %cond3A_56 {
      %mul3A_62 = arith.constant 3136 : i32
      %mul3A_63 = arith.muli %arg1, %mul3A_62 : i32
      "tpu.region"() ({
        %run_scoped3A = tpu.sem_alloc : memref<!tpu.dma_semaphore, #tpu.memory_space<semaphore_mem>>
        %dma_start3A = tpu.memref_slice %arg3[%mul3A_63] : memref<50176xf32, #tpu.memory_space<hbm>> -> memref<3136xf32, #tpu.memory_space<hbm>>
        %dma_start3A_64 = tpu.memref_slice %arg3[%mul3A_63] : memref<50176xf32, #tpu.memory_space<hbm>> -> memref<3136xf32, #tpu.memory_space<hbm>>
        tpu.enqueue_dma source(%arg7 : memref<3136xf32, #tpu.memory_space<vmem>>) target(%dma_start3A_64 : memref<3136xf32, #tpu.memory_space<hbm>>) target_semaphore(%run_scoped3A : memref<!tpu.dma_semaphore, #tpu.memory_space<semaphore_mem>>)
        %dma_wait3A = tpu.memref_slice %arg3[%mul3A_63] : memref<50176xf32, #tpu.memory_space<hbm>> -> memref<3136xf32, #tpu.memory_space<hbm>>
        %dma_wait3A_65 = tpu.memref_slice %arg3[%mul3A_63] : memref<50176xf32, #tpu.memory_space<hbm>> -> memref<3136xf32, #tpu.memory_space<hbm>>
        tpu.wait_dma2 semaphore(%run_scoped3A : memref<!tpu.dma_semaphore, #tpu.memory_space<semaphore_mem>>) src(%arg7 : memref<3136xf32, #tpu.memory_space<vmem>>) dst(%dma_wait3A_65 : memref<3136xf32, #tpu.memory_space<hbm>>)
        tpu.yield
      }) : () -> ()
    } else {
    }
    %eq3A_57 = arith.constant 1 : i32
    %eq3A_58 = arith.cmpi eq, %arg0, %eq3A_57 : i32
    %convert_element_type3A_59 = arith.extui %eq3A_58 : i1 to i32
    %cond3A_60 = arith.constant 0 : i32
    %cond3A_61 = arith.cmpi ne, %convert_element_type3A_59, %cond3A_60 : i32
    scf.if %cond3A_61 {
      %mul3A_62 = arith.constant 3136 : i32
      %mul3A_63 = arith.muli %arg1, %mul3A_62 : i32
      "tpu.region"() ({
        %run_scoped3A = tpu.sem_alloc : memref<!tpu.dma_semaphore, #tpu.memory_space<semaphore_mem>>
        %dma_start3A = tpu.memref_slice %arg4[%mul3A_63] : memref<50176xf32, #tpu.memory_space<hbm>> -> memref<3136xf32, #tpu.memory_space<hbm>>
        %dma_start3A_64 = tpu.memref_slice %arg4[%mul3A_63] : memref<50176xf32, #tpu.memory_space<hbm>> -> memref<3136xf32, #tpu.memory_space<hbm>>
        tpu.enqueue_dma source(%arg7 : memref<3136xf32, #tpu.memory_space<vmem>>) target(%dma_start3A_64 : memref<3136xf32, #tpu.memory_space<hbm>>) target_semaphore(%run_scoped3A : memref<!tpu.dma_semaphore, #tpu.memory_space<semaphore_mem>>)
        %dma_wait3A = tpu.memref_slice %arg4[%mul3A_63] : memref<50176xf32, #tpu.memory_space<hbm>> -> memref<3136xf32, #tpu.memory_space<hbm>>
        %dma_wait3A_65 = tpu.memref_slice %arg4[%mul3A_63] : memref<50176xf32, #tpu.memory_space<hbm>> -> memref<3136xf32, #tpu.memory_space<hbm>>
        tpu.wait_dma2 semaphore(%run_scoped3A : memref<!tpu.dma_semaphore, #tpu.memory_space<semaphore_mem>>) src(%arg7 : memref<3136xf32, #tpu.memory_space<vmem>>) dst(%dma_wait3A_65 : memref<3136xf32, #tpu.memory_space<hbm>>)
        tpu.yield
      }) : () -> ()
    } else {
    }
    return
  }
}

module attributes {stable_mosaic.version = 14 : i64} {
  func.func @_dense_body(%arg0: i32, %arg1: memref<1568x2xf32, #tpu.memory_space<vmem>>, %arg2: memref<1568x64xf32, #tpu.memory_space<vmem>>, %arg3: memref<1568x1xf32, #tpu.memory_space<vmem>>, %arg4: memref<1568x1xf32, #tpu.memory_space<vmem>>, %arg5: memref<2x64xf32, #tpu.memory_space<vmem>>, %arg6: memref<1x64xf32, #tpu.memory_space<vmem>>, %arg7: memref<64x64xf32, #tpu.memory_space<vmem>>, %arg8: memref<1568x32xf32, #tpu.memory_space<vmem>>, %arg9: memref<1568x32xf32, #tpu.memory_space<vmem>>, %arg10: memref<1568x1xf32, #tpu.memory_space<vmem>>) attributes {dimension_semantics = [#tpu.dimension_semantics<arbitrary>], iteration_bounds = array<i64: 32>, scalar_prefetch = 0 : i64, scratch_operands = 0 : i64, tpu.core_type = #tpu.core_type<tc>, window_params = [{transform_indices = @transform_0, window_bounds = array<i64: 1568, 2>}, {transform_indices = @transform_1, window_bounds = array<i64: 1568, 64>}, {transform_indices = @transform_2, window_bounds = array<i64: 1568, 1>}, {transform_indices = @transform_3, window_bounds = array<i64: 1568, 1>}, {pipeline_mode = #tpu.pipeline_mode<synchronous>, transform_indices = @transform_4, window_bounds = array<i64: 2, 64>}, {pipeline_mode = #tpu.pipeline_mode<synchronous>, transform_indices = @transform_5, window_bounds = array<i64: 1, 64>}, {pipeline_mode = #tpu.pipeline_mode<synchronous>, transform_indices = @transform_6, window_bounds = array<i64: 64, 64>}, {transform_indices = @transform_7, window_bounds = array<i64: 1568, 32>}, {transform_indices = @transform_8, window_bounds = array<i64: 1568, 32>}, {transform_indices = @transform_9, window_bounds = array<i64: 1568, 1>}]} {
    %get3A = arith.constant 0 : index
    %get3A_0 = arith.constant 0 : index
    %get3A_1 = vector.load %arg3[%get3A, %get3A_0] : memref<1568x1xf32, #tpu.memory_space<vmem>>, vector<1568x1xf32>
    %get3A_2 = arith.constant 0 : index
    %get3A_3 = arith.constant 0 : index
    %get3A_4 = vector.load %arg4[%get3A_2, %get3A_3] : memref<1568x1xf32, #tpu.memory_space<vmem>>, vector<1568x1xf32>
    %add3A = arith.addf %get3A_1, %get3A_4 : vector<1568x1xf32>
    %add3A_5 = arith.constant 1.000000e+00 : f32
    %add3A_6 = vector.broadcast %add3A_5 : f32 to vector<1568x1xf32>
    %add3A_7 = arith.addf %add3A, %add3A_6 : vector<1568x1xf32>
    %rsqrt3A = math.rsqrt %add3A_7 : vector<1568x1xf32>
    %get3A_8 = arith.constant 0 : index
    %get3A_9 = arith.constant 0 : index
    %get3A_10 = vector.load %arg2[%get3A_8, %get3A_9] : memref<1568x64xf32, #tpu.memory_space<vmem>>, vector<1568x64xf32>
    %get3A_11 = arith.constant 0 : index
    %get3A_12 = arith.constant 0 : index
    %get3A_13 = vector.load %arg1[%get3A_11, %get3A_12] : memref<1568x2xf32, #tpu.memory_space<vmem>>, vector<1568x2xf32>
    %get3A_14 = arith.constant 0 : index
    %get3A_15 = arith.constant 0 : index
    %get3A_16 = vector.load %arg5[%get3A_14, %get3A_15] : memref<2x64xf32, #tpu.memory_space<vmem>>, vector<2x64xf32>
    %dot_general3A = arith.constant dense<0.000000e+00> : vector<1568x64xf32>
    %dot_general3A_17 = tpu.matmul %get3A_13, %get3A_16, %dot_general3A {dimension_numbers = #tpu.dot_dimension_numbers<[1], [0], [0], [1], [0, 0, 1, 1], [], []>, transpose_lhs_hint = false} : vector<1568x2xf32>, vector<2x64xf32>, vector<1568x64xf32> -> vector<1568x64xf32>
    %add3A_18 = arith.addf %get3A_10, %dot_general3A_17 : vector<1568x64xf32>
    %get3A_19 = arith.constant 0 : index
    %get3A_20 = arith.constant 0 : index
    %get3A_21 = vector.load %arg6[%get3A_19, %get3A_20] : memref<1x64xf32, #tpu.memory_space<vmem>>, vector<1x64xf32>
    %add3A_22 = vector.broadcast %get3A_21 : vector<1x64xf32> to vector<1568x64xf32>
    %add3A_23 = arith.addf %add3A_18, %add3A_22 : vector<1568x64xf32>
    %get3A_24 = arith.constant 0 : index
    %get3A_25 = arith.constant 0 : index
    %get3A_26 = vector.load %arg7[%get3A_24, %get3A_25] : memref<64x64xf32, #tpu.memory_space<vmem>>, vector<64x64xf32>
    %dot_general3A_27 = arith.constant dense<0.000000e+00> : vector<1568x64xf32>
    %dot_general3A_28 = tpu.matmul %add3A_23, %get3A_26, %dot_general3A_27 {dimension_numbers = #tpu.dot_dimension_numbers<[1], [0], [0], [1], [0, 0, 1, 1], [], []>, transpose_lhs_hint = false} : vector<1568x64xf32>, vector<64x64xf32>, vector<1568x64xf32> -> vector<1568x64xf32>
    %mul3A = vector.broadcast %rsqrt3A : vector<1568x1xf32> to vector<1568x64xf32>
    %mul3A_29 = arith.mulf %dot_general3A_28, %mul3A : vector<1568x64xf32>
    %slice3A = vector.extract_strided_slice %mul3A_29 {offsets = [0, 0], sizes = [1568, 32], strides = [1, 1]} : vector<1568x64xf32> to vector<1568x32xf32>
    %swap3A = arith.constant 0 : index
    %swap3A_30 = arith.constant 0 : index
    %swap3A_31 = vector.load %arg8[%swap3A, %swap3A_30] : memref<1568x32xf32, #tpu.memory_space<vmem>>, vector<1568x32xf32>
    tpu.vector_store %arg8[%swap3A, %swap3A_30], %slice3A {strides = array<i32>} : memref<1568x32xf32, #tpu.memory_space<vmem>>, vector<1568x32xf32>,
    %slice3A_32 = vector.extract_strided_slice %mul3A_29 {offsets = [0, 32], sizes = [1568, 32], strides = [1, 1]} : vector<1568x64xf32> to vector<1568x32xf32>
    %swap3A_33 = arith.constant 0 : index
    %swap3A_34 = arith.constant 0 : index
    %swap3A_35 = vector.load %arg9[%swap3A_33, %swap3A_34] : memref<1568x32xf32, #tpu.memory_space<vmem>>, vector<1568x32xf32>
    tpu.vector_store %arg9[%swap3A_33, %swap3A_34], %slice3A_32 {strides = array<i32>} : memref<1568x32xf32, #tpu.memory_space<vmem>>, vector<1568x32xf32>,
    %swap3A_36 = arith.constant 0 : index
    %swap3A_37 = arith.constant 0 : index
    %swap3A_38 = vector.load %arg10[%swap3A_36, %swap3A_37] : memref<1568x1xf32, #tpu.memory_space<vmem>>, vector<1568x1xf32>
    tpu.vector_store %arg10[%swap3A_36, %swap3A_37], %rsqrt3A {strides = array<i32>} : memref<1568x1xf32, #tpu.memory_space<vmem>>, vector<1568x1xf32>,
    return
  }
  func.func @transform_0(%arg0: i32) -> (i32, i32) {
    %c0_i32 = arith.constant 0 : i32
    %c0_i32_0 = arith.constant 0 : i32
    return %arg0, %c0_i32 : i32, i32
  }
  func.func @transform_1(%arg0: i32) -> (i32, i32) {
    %c0_i32 = arith.constant 0 : i32
    %c0_i32_0 = arith.constant 0 : i32
    return %arg0, %c0_i32 : i32, i32
  }
  func.func @transform_2(%arg0: i32) -> (i32, i32) {
    %c0_i32 = arith.constant 0 : i32
    %c0_i32_0 = arith.constant 0 : i32
    return %arg0, %c0_i32 : i32, i32
  }
  func.func @transform_3(%arg0: i32) -> (i32, i32) {
    %c0_i32 = arith.constant 0 : i32
    %c0_i32_0 = arith.constant 0 : i32
    return %arg0, %c0_i32 : i32, i32
  }
  func.func @transform_4(%arg0: i32) -> (i32, i32) {
    %c0_i32 = arith.constant 0 : i32
    %c0_i32_0 = arith.constant 0 : i32
    %c0_i32_1 = arith.constant 0 : i32
    return %c0_i32, %c0_i32_0 : i32, i32
  }
  func.func @transform_5(%arg0: i32) -> (i32, i32) {
    %c0_i32 = arith.constant 0 : i32
    %c0_i32_0 = arith.constant 0 : i32
    %c0_i32_1 = arith.constant 0 : i32
    return %c0_i32, %c0_i32_0 : i32, i32
  }
  func.func @transform_6(%arg0: i32) -> (i32, i32) {
    %c0_i32 = arith.constant 0 : i32
    %c0_i32_0 = arith.constant 0 : i32
    %c0_i32_1 = arith.constant 0 : i32
    return %c0_i32, %c0_i32_0 : i32, i32
  }
  func.func @transform_7(%arg0: i32) -> (i32, i32) {
    %c0_i32 = arith.constant 0 : i32
    %c0_i32_0 = arith.constant 0 : i32
    return %arg0, %c0_i32 : i32, i32
  }
  func.func @transform_8(%arg0: i32) -> (i32, i32) {
    %c0_i32 = arith.constant 0 : i32
    %c0_i32_0 = arith.constant 0 : i32
    return %arg0, %c0_i32 : i32, i32
  }
  func.func @transform_9(%arg0: i32) -> (i32, i32) {
    %c0_i32 = arith.constant 0 : i32
    %c0_i32_0 = arith.constant 0 : i32
    return %arg0, %c0_i32 : i32, i32
  }
}

module attributes {stable_mosaic.version = 14 : i64} {
  func.func @_final_body(%arg0: i32, %arg1: memref<1568x32xf32, #tpu.memory_space<vmem>>, %arg2: memref<1568x32xf32, #tpu.memory_space<vmem>>, %arg3: memref<1568x32xf32, #tpu.memory_space<vmem>>, %arg4: memref<1568x32xf32, #tpu.memory_space<vmem>>, %arg5: memref<1568x1xf32, #tpu.memory_space<vmem>>, %arg6: memref<1568x2xf32, #tpu.memory_space<vmem>>, %arg7: memref<1568x1xf32, #tpu.memory_space<vmem>>, %arg8: memref<1x64xf32, #tpu.memory_space<vmem>>, %arg9: memref<1x64xf32, #tpu.memory_space<vmem>>, %arg10: memref<1x64xf32, #tpu.memory_space<vmem>>, %arg11: memref<3xf32, #tpu.memory_space<smem>>, %arg12: memref<1xi32, #tpu.memory_space<smem>>, %arg13: memref<1x1xf32, #tpu.memory_space<vmem>>, %arg14: memref<1x1xf32, #tpu.memory_space<vmem>>, %arg15: memref<2x64xf32, #tpu.memory_space<vmem>>, %arg16: memref<2xf32, #tpu.memory_space<smem>>) attributes {dimension_semantics = [#tpu.dimension_semantics<arbitrary>], iteration_bounds = array<i64: 32>, scalar_prefetch = 0 : i64, scratch_operands = 2 : i64, tpu.core_type = #tpu.core_type<tc>, window_params = [{transform_indices = @transform_0, window_bounds = array<i64: 1568, 32>}, {transform_indices = @transform_1, window_bounds = array<i64: 1568, 32>}, {transform_indices = @transform_2, window_bounds = array<i64: 1568, 32>}, {transform_indices = @transform_3, window_bounds = array<i64: 1568, 32>}, {transform_indices = @transform_4, window_bounds = array<i64: 1568, 1>}, {transform_indices = @transform_5, window_bounds = array<i64: 1568, 2>}, {transform_indices = @transform_6, window_bounds = array<i64: 1568, 1>}, {pipeline_mode = #tpu.pipeline_mode<synchronous>, transform_indices = @transform_7, window_bounds = array<i64: 1, 64>}, {pipeline_mode = #tpu.pipeline_mode<synchronous>, transform_indices = @transform_8, window_bounds = array<i64: 1, 64>}, {pipeline_mode = #tpu.pipeline_mode<synchronous>, transform_indices = @transform_9, window_bounds = array<i64: 1, 64>}, {transform_indices = @transform_10, window_bounds = array<i64: 3>}, {transform_indices = @transform_11, window_bounds = array<i64: 1>}, {pipeline_mode = #tpu.pipeline_mode<synchronous>, transform_indices = @transform_12, window_bounds = array<i64: 1, 1>}, {pipeline_mode = #tpu.pipeline_mode<synchronous>, transform_indices = @transform_13, window_bounds = array<i64: 1, 1>}]} {
    %eq3A = arith.constant 0 : i32
    %eq3A_0 = arith.cmpi eq, %arg0, %eq3A : i32
    %convert_element_type3A = arith.extui %eq3A_0 : i1 to i32
    %cond3A = arith.constant 0 : i32
    %cond3A_1 = arith.cmpi ne, %convert_element_type3A, %cond3A : i32
    scf.if %cond3A_1 {
      %broadcast_in_dim3A_101 = arith.constant 0.000000e+00 : f32
      %broadcast_in_dim3A_102 = vector.broadcast %broadcast_in_dim3A_101 : f32 to vector<2x64xf32>
      %swap3A_103 = arith.constant 0 : index
      %swap3A_104 = arith.constant 0 : index
      %swap3A_105 = vector.load %arg15[%swap3A_103, %swap3A_104] : memref<2x64xf32, #tpu.memory_space<vmem>>, vector<2x64xf32>
      tpu.vector_store %arg15[%swap3A_103, %swap3A_104], %broadcast_in_dim3A_102 {strides = array<i32>} : memref<2x64xf32, #tpu.memory_space<vmem>>, vector<2x64xf32>,
      %swap3A_106 = arith.constant 0.000000e+00 : f32
      %swap3A_107 = arith.constant 0 : index
      %swap3A_108 = memref.load %arg16[%swap3A_107] : memref<2xf32, #tpu.memory_space<smem>>
      memref.store %swap3A_106, %arg16[%swap3A_107] : memref<2xf32, #tpu.memory_space<smem>>
      %swap3A_109 = arith.constant 0.000000e+00 : f32
      %swap3A_110 = arith.constant 1 : index
      %swap3A_111 = memref.load %arg16[%swap3A_110] : memref<2xf32, #tpu.memory_space<smem>>
      memref.store %swap3A_109, %arg16[%swap3A_110] : memref<2xf32, #tpu.memory_space<smem>>
    } else {
    }
    %get3A = arith.constant 0 : index
    %get3A_2 = arith.constant 0 : index
    %get3A_3 = vector.load %arg1[%get3A, %get3A_2] : memref<1568x32xf32, #tpu.memory_space<vmem>>, vector<1568x32xf32>
    %get3A_4 = arith.constant 0 : index
    %get3A_5 = arith.constant 0 : index
    %get3A_6 = vector.load %arg2[%get3A_4, %get3A_5] : memref<1568x32xf32, #tpu.memory_space<vmem>>, vector<1568x32xf32>
    %concatenate3A = tpu.concatenate %get3A_3, %get3A_6 in 1 : vector<1568x32xf32>, vector<1568x32xf32> -> vector<1568x64xf32>
    %get3A_7 = arith.constant 0 : index
    %get3A_8 = arith.constant 0 : index
    %get3A_9 = vector.load %arg3[%get3A_7, %get3A_8] : memref<1568x32xf32, #tpu.memory_space<vmem>>, vector<1568x32xf32>
    %get3A_10 = arith.constant 0 : index
    %get3A_11 = arith.constant 0 : index
    %get3A_12 = vector.load %arg4[%get3A_10, %get3A_11] : memref<1568x32xf32, #tpu.memory_space<vmem>>, vector<1568x32xf32>
    %concatenate3A_13 = tpu.concatenate %get3A_9, %get3A_12 in 1 : vector<1568x32xf32>, vector<1568x32xf32> -> vector<1568x64xf32>
    %get3A_14 = arith.constant 0 : index
    %get3A_15 = arith.constant 0 : index
    %get3A_16 = vector.load %arg5[%get3A_14, %get3A_15] : memref<1568x1xf32, #tpu.memory_space<vmem>>, vector<1568x1xf32>
    %add3A = arith.addf %concatenate3A, %concatenate3A_13 : vector<1568x64xf32>
    %mul3A = vector.broadcast %get3A_16 : vector<1568x1xf32> to vector<1568x64xf32>
    %mul3A_17 = arith.mulf %mul3A, %add3A : vector<1568x64xf32>
    %get3A_18 = arith.constant 0 : index
    %get3A_19 = arith.constant 0 : index
    %get3A_20 = vector.load %arg8[%get3A_18, %get3A_19] : memref<1x64xf32, #tpu.memory_space<vmem>>, vector<1x64xf32>
    %add3A_21 = vector.broadcast %get3A_20 : vector<1x64xf32> to vector<1568x64xf32>
    %add3A_22 = arith.addf %mul3A_17, %add3A_21 : vector<1568x64xf32>
    %max3A = arith.constant 0.000000e+00 : f32
    %max3A_23 = vector.broadcast %max3A : f32 to vector<1568x64xf32>
    %max3A_24 = arith.maximumf %add3A_22, %max3A_23 : vector<1568x64xf32>
    %mul3A_25 = arith.constant 1568 : i32
    %mul3A_26 = arith.muli %arg0, %mul3A_25 : i32
    %iota3A = tpu.iota {dimensions = array<i32: 0>} : vector<1568x1xi32>
    %add3A_27 = vector.broadcast %mul3A_26 : i32 to vector<1568x1xi32>
    %add3A_28 = arith.addi %add3A_27, %iota3A : vector<1568x1xi32>
    %get3A_29 = arith.constant 0 : index
    %get3A_30 = memref.load %arg12[%get3A_29] : memref<1xi32, #tpu.memory_space<smem>>
    %eq3A_31 = vector.broadcast %get3A_30 : i32 to vector<1568x1xi32>
    %eq3A_32 = arith.cmpi eq, %add3A_28, %eq3A_31 : vector<1568x1xi32>
    %convert_element_type3A_33 = arith.extui %eq3A_32 : vector<1568x1xi1> to vector<1568x1xi32>
    %convert_element_type3A_34 = arith.sitofp %convert_element_type3A_33 : vector<1568x1xi32> to vector<1568x1xf32>
    %get3A_35 = arith.constant 0 : index
    %get3A_36 = arith.constant 1 : index
    %get3A_37 = vector.load %arg6[%get3A_35, %get3A_36] : memref<1568x2xf32, #tpu.memory_space<vmem>>, vector<1568x1xf32>
    %get3A_38 = arith.constant 0 : index
    %get3A_39 = arith.constant 0 : index
    %get3A_40 = vector.load %arg15[%get3A_38, %get3A_39] : memref<2x64xf32, #tpu.memory_space<vmem>>, vector<1x64xf32>
    %mul3A_41 = vector.broadcast %convert_element_type3A_34 : vector<1568x1xf32> to vector<1568x64xf32>
    %mul3A_42 = arith.mulf %max3A_24, %mul3A_41 : vector<1568x64xf32>
    %reduce_sum3A = arith.constant dense<0.000000e+00> : vector<64xf32>
    %reduce_sum3A_43 = vector.multi_reduction <add>, %mul3A_42, %reduce_sum3A [0] : vector<1568x64xf32> to vector<64xf32>
    %broadcast_in_dim3A = vector.shape_cast %reduce_sum3A_43 : vector<64xf32> to vector<1x64xf32>
    %add3A_44 = arith.addf %get3A_40, %broadcast_in_dim3A : vector<1x64xf32>
    %swap3A = arith.constant 0 : index
    %swap3A_45 = arith.constant 0 : index
    %swap3A_46 = vector.load %arg15[%swap3A, %swap3A_45] : memref<2x64xf32, #tpu.memory_space<vmem>>, vector<1x64xf32>
    tpu.vector_store %arg15[%swap3A, %swap3A_45], %add3A_44 {strides = array<i32>} : memref<2x64xf32, #tpu.memory_space<vmem>>, vector<1x64xf32>,
    %get3A_47 = arith.constant 1 : index
    %get3A_48 = arith.constant 0 : index
    %get3A_49 = vector.load %arg15[%get3A_47, %get3A_48] : memref<2x64xf32, #tpu.memory_space<vmem>>, vector<1x64xf32>
    %mul3A_50 = vector.broadcast %get3A_37 : vector<1568x1xf32> to vector<1568x64xf32>
    %mul3A_51 = arith.mulf %max3A_24, %mul3A_50 : vector<1568x64xf32>
    %reduce_sum3A_52 = arith.constant dense<0.000000e+00> : vector<64xf32>
    %reduce_sum3A_53 = vector.multi_reduction <add>, %mul3A_51, %reduce_sum3A_52 [0] : vector<1568x64xf32> to vector<64xf32>
    %broadcast_in_dim3A_54 = vector.shape_cast %reduce_sum3A_53 : vector<64xf32> to vector<1x64xf32>
    %add3A_55 = arith.addf %get3A_49, %broadcast_in_dim3A_54 : vector<1x64xf32>
    %swap3A_56 = arith.constant 1 : index
    %swap3A_57 = arith.constant 0 : index
    %swap3A_58 = vector.load %arg15[%swap3A_56, %swap3A_57] : memref<2x64xf32, #tpu.memory_space<vmem>>, vector<1x64xf32>
    tpu.vector_store %arg15[%swap3A_56, %swap3A_57], %add3A_55 {strides = array<i32>} : memref<2x64xf32, #tpu.memory_space<vmem>>, vector<1x64xf32>,
    %get3A_59 = arith.constant 0 : index
    %get3A_60 = memref.load %arg16[%get3A_59] : memref<2xf32, #tpu.memory_space<smem>>
    %get3A_61 = arith.constant 0 : index
    %get3A_62 = arith.constant 0 : index
    %get3A_63 = vector.load %arg6[%get3A_61, %get3A_62] : memref<1568x2xf32, #tpu.memory_space<vmem>>, vector<1568x1xf32>
    %get3A_64 = vector.shape_cast %get3A_63 : vector<1568x1xf32> to vector<1568xf32>
    %reduce_sum3A_65 = vector.shape_cast %get3A_64 : vector<1568xf32> to vector<1x1568xf32>
    %reduce_sum3A_66 = arith.constant dense<0.000000e+00> : vector<1xf32>
    %reduce_sum3A_67 = vector.multi_reduction <add>, %reduce_sum3A_65, %reduce_sum3A_66 [1] : vector<1x1568xf32> to vector<1xf32>
    %reduce_sum3A_68 = vector.shape_cast %reduce_sum3A_67 : vector<1xf32> to vector<1x1xf32>
    %reduce_sum3A_69 = vector.extract %reduce_sum3A_68[0, 0] : f32 from vector<1x1xf32>
    %add3A_70 = arith.addf %get3A_60, %reduce_sum3A_69 : f32
    %swap3A_71 = arith.constant 0 : index
    %swap3A_72 = memref.load %arg16[%swap3A_71] : memref<2xf32, #tpu.memory_space<smem>>
    memref.store %add3A_70, %arg16[%swap3A_71] : memref<2xf32, #tpu.memory_space<smem>>
    %get3A_73 = arith.constant 1 : index
    %get3A_74 = memref.load %arg16[%get3A_73] : memref<2xf32, #tpu.memory_space<smem>>
    %custom_jvp_call3A = arith.constant 0.000000e+00 : f32
    %max3A_75 = vector.broadcast %custom_jvp_call3A : f32 to vector<1568x64xf32>
    %max3A_76 = arith.maximumf %max3A_24, %max3A_75 : vector<1568x64xf32>
    %sub3A = vector.broadcast %custom_jvp_call3A : f32 to vector<1568x64xf32>
    %sub3A_77 = arith.subf %max3A_24, %sub3A : vector<1568x64xf32>
    %ne3A = arith.cmpf one, %sub3A_77, %sub3A_77 : vector<1568x64xf32>
    %add3A_78 = vector.broadcast %custom_jvp_call3A : f32 to vector<1568x64xf32>
    %add3A_79 = arith.addf %max3A_24, %add3A_78 : vector<1568x64xf32>
    %abs3A = math.absf %sub3A_77 : vector<1568x64xf32>
    %neg3A = arith.constant 0.000000e+00 : f32
    %neg3A_80 = vector.broadcast %neg3A : f32 to vector<1568x64xf32>
    %neg3A_81 = arith.subf %neg3A_80, %abs3A : vector<1568x64xf32>
    %exp3A = math.exp %neg3A_81 : vector<1568x64xf32>
    %log1p3A = math.log1p %exp3A : vector<1568x64xf32>
    %add3A_82 = arith.addf %max3A_76, %log1p3A : vector<1568x64xf32>
    %select_n3A = arith.select %ne3A, %add3A_79, %add3A_82 : vector<1568x64xi1>, vector<1568x64xf32>
    %get3A_83 = arith.constant 0 : index
    %get3A_84 = arith.constant 0 : index
    %get3A_85 = vector.load %arg7[%get3A_83, %get3A_84] : memref<1568x1xf32, #tpu.memory_space<vmem>>, vector<1568x1xf32>
    %mul3A_86 = vector.broadcast %get3A_85 : vector<1568x1xf32> to vector<1568x64xf32>
    %mul3A_87 = arith.mulf %select_n3A, %mul3A_86 : vector<1568x64xf32>
    %reduce_sum3A_88 = vector.shape_cast %mul3A_87 : vector<1568x64xf32> to vector<1x1568x64xf32>
    %reduce_sum3A_89 = arith.constant dense<0.000000e+00> : vector<1xf32>
    %reduce_sum3A_90 = vector.multi_reduction <add>, %reduce_sum3A_88, %reduce_sum3A_89 [1, 2] : vector<1x1568x64xf32> to vector<1xf32>
    %reduce_sum3A_91 = vector.shape_cast %reduce_sum3A_90 : vector<1xf32> to vector<1x1x1xf32>
    %reduce_sum3A_92 = vector.extract %reduce_sum3A_91[0, 0, 0] : f32 from vector<1x1x1xf32>
    %add3A_93 = arith.addf %get3A_74, %reduce_sum3A_92 : f32
    %swap3A_94 = arith.constant 1 : index
    %swap3A_95 = memref.load %arg16[%swap3A_94] : memref<2xf32, #tpu.memory_space<smem>>
    memref.store %add3A_93, %arg16[%swap3A_94] : memref<2xf32, #tpu.memory_space<smem>>
    %eq3A_96 = arith.constant 31 : i32
    %eq3A_97 = arith.cmpi eq, %arg0, %eq3A_96 : i32
    %convert_element_type3A_98 = arith.extui %eq3A_97 : i1 to i32
    %cond3A_99 = arith.constant 0 : i32
    %cond3A_100 = arith.cmpi ne, %convert_element_type3A_98, %cond3A_99 : i32
    scf.if %cond3A_100 {
      %get3A_101 = arith.constant 0 : index
      %get3A_102 = arith.constant 0 : index
      %get3A_103 = vector.load %arg15[%get3A_101, %get3A_102] : memref<2x64xf32, #tpu.memory_space<vmem>>, vector<1x64xf32>
      %get3A_104 = arith.constant 0 : index
      %get3A_105 = arith.constant 0 : index
      %get3A_106 = vector.load %arg9[%get3A_104, %get3A_105] : memref<1x64xf32, #tpu.memory_space<vmem>>, vector<1x64xf32>
      %mul3A_107 = arith.mulf %get3A_103, %get3A_106 : vector<1x64xf32>
      %reduce_sum3A_108 = vector.shape_cast %mul3A_107 : vector<1x64xf32> to vector<1x1x64xf32>
      %reduce_sum3A_109 = arith.constant dense<0.000000e+00> : vector<1xf32>
      %reduce_sum3A_110 = vector.multi_reduction <add>, %reduce_sum3A_108, %reduce_sum3A_109 [1, 2] : vector<1x1x64xf32> to vector<1xf32>
      %reduce_sum3A_111 = vector.shape_cast %reduce_sum3A_110 : vector<1xf32> to vector<1x1x1xf32>
      %reduce_sum3A_112 = vector.extract %reduce_sum3A_111[0, 0, 0] : f32 from vector<1x1x1xf32>
      %get3A_113 = arith.constant 0 : index
      %get3A_114 = memref.load %arg11[%get3A_113] : memref<3xf32, #tpu.memory_space<smem>>
      %add3A_115 = arith.addf %reduce_sum3A_112, %get3A_114 : f32
      %get3A_116 = arith.constant 0 : index
      %get3A_117 = memref.load %arg16[%get3A_116] : memref<2xf32, #tpu.memory_space<smem>>
      %max3A_118 = arith.constant 1.000000e+00 : f32
      %max3A_119 = arith.maximumf %get3A_117, %max3A_118 : f32
      %get3A_120 = arith.constant 1 : index
      %get3A_121 = arith.constant 0 : index
      %get3A_122 = vector.load %arg15[%get3A_120, %get3A_121] : memref<2x64xf32, #tpu.memory_space<vmem>>, vector<1x64xf32>
      %div3A = vector.broadcast %max3A_119 : f32 to vector<1x64xf32>
      %div3A_123 = arith.divf %get3A_122, %div3A : vector<1x64xf32>
      %get3A_124 = arith.constant 0 : index
      %get3A_125 = arith.constant 0 : index
      %get3A_126 = vector.load %arg10[%get3A_124, %get3A_125] : memref<1x64xf32, #tpu.memory_space<vmem>>, vector<1x64xf32>
      %mul3A_127 = arith.mulf %div3A_123, %get3A_126 : vector<1x64xf32>
      %reduce_sum3A_128 = vector.shape_cast %mul3A_127 : vector<1x64xf32> to vector<1x1x64xf32>
      %reduce_sum3A_129 = arith.constant dense<0.000000e+00> : vector<1xf32>
      %reduce_sum3A_130 = vector.multi_reduction <add>, %reduce_sum3A_128, %reduce_sum3A_129 [1, 2] : vector<1x1x64xf32> to vector<1xf32>
      %reduce_sum3A_131 = vector.shape_cast %reduce_sum3A_130 : vector<1xf32> to vector<1x1x1xf32>
      %reduce_sum3A_132 = vector.extract %reduce_sum3A_131[0, 0, 0] : f32 from vector<1x1x1xf32>
      %get3A_133 = arith.constant 1 : index
      %get3A_134 = memref.load %arg11[%get3A_133] : memref<3xf32, #tpu.memory_space<smem>>
      %add3A_135 = arith.addf %reduce_sum3A_132, %get3A_134 : f32
      %get3A_136 = arith.constant 2 : index
      %get3A_137 = memref.load %arg11[%get3A_136] : memref<3xf32, #tpu.memory_space<smem>>
      %abs3A_138 = math.absf %get3A_137 : f32
      %get3A_139 = arith.constant 1 : index
      %get3A_140 = memref.load %arg16[%get3A_139] : memref<2xf32, #tpu.memory_space<smem>>
      %div3A_141 = arith.constant 6.400000e+01 : f32
      %div3A_142 = arith.divf %get3A_140, %div3A_141 : f32
      %mul3A_143 = arith.mulf %abs3A_138, %div3A_142 : f32
      %sub3A_144 = arith.subf %add3A_135, %add3A_115 : f32
      %add3A_145 = arith.addf %sub3A_144, %mul3A_143 : f32
      %broadcast_in_dim3A_146 = arith.constant 1.000000e+00 : f32
      %broadcast_in_dim3A_147 = vector.broadcast %broadcast_in_dim3A_146 : f32 to vector<1x1xf32>
      %mul3A_148 = vector.broadcast %add3A_145 : f32 to vector<1x1xf32>
      %mul3A_149 = arith.mulf %mul3A_148, %broadcast_in_dim3A_147 : vector<1x1xf32>
      %swap3A_150 = arith.constant 0 : index
      %swap3A_151 = arith.constant 0 : index
      %swap3A_152 = vector.load %arg14[%swap3A_150, %swap3A_151] : memref<1x1xf32, #tpu.memory_space<vmem>>, vector<1x1xf32>
      tpu.vector_store %arg14[%swap3A_150, %swap3A_151], %mul3A_149 {strides = array<i32>} : memref<1x1xf32, #tpu.memory_space<vmem>>, vector<1x1xf32>,
      %logistic3A = arith.negf %add3A_145 : f32
      %logistic3A_153 = math.exp %logistic3A : f32
      %logistic3A_154 = arith.constant 1.000000e+00 : f32
      %logistic3A_155 = arith.addf %logistic3A_154, %logistic3A_153 : f32
      %logistic3A_156 = arith.divf %logistic3A_154, %logistic3A_155 : f32
      %mul3A_157 = vector.broadcast %logistic3A_156 : f32 to vector<1x1xf32>
      %mul3A_158 = arith.mulf %mul3A_157, %broadcast_in_dim3A_147 : vector<1x1xf32>
      %swap3A_159 = arith.constant 0 : index
      %swap3A_160 = arith.constant 0 : index
      %swap3A_161 = vector.load %arg13[%swap3A_159, %swap3A_160] : memref<1x1xf32, #tpu.memory_space<vmem>>, vector<1x1xf32>
      tpu.vector_store %arg13[%swap3A_159, %swap3A_160], %mul3A_158 {strides = array<i32>} : memref<1x1xf32, #tpu.memory_space<vmem>>, vector<1x1xf32>,
    } else {
    }
    return
  }
  func.func @transform_0(%arg0: i32) -> (i32, i32) {
    %c0_i32 = arith.constant 0 : i32
    %c0_i32_0 = arith.constant 0 : i32
    return %arg0, %c0_i32 : i32, i32
  }
  func.func @transform_1(%arg0: i32) -> (i32, i32) {
    %c0_i32 = arith.constant 0 : i32
    %c0_i32_0 = arith.constant 0 : i32
    return %arg0, %c0_i32 : i32, i32
  }
  func.func @transform_2(%arg0: i32) -> (i32, i32) {
    %c0_i32 = arith.constant 0 : i32
    %c0_i32_0 = arith.constant 0 : i32
    return %arg0, %c0_i32 : i32, i32
  }
  func.func @transform_3(%arg0: i32) -> (i32, i32) {
    %c0_i32 = arith.constant 0 : i32
    %c0_i32_0 = arith.constant 0 : i32
    return %arg0, %c0_i32 : i32, i32
  }
  func.func @transform_4(%arg0: i32) -> (i32, i32) {
    %c0_i32 = arith.constant 0 : i32
    %c0_i32_0 = arith.constant 0 : i32
    return %arg0, %c0_i32 : i32, i32
  }
  func.func @transform_5(%arg0: i32) -> (i32, i32) {
    %c0_i32 = arith.constant 0 : i32
    %c0_i32_0 = arith.constant 0 : i32
    return %arg0, %c0_i32 : i32, i32
  }
  func.func @transform_6(%arg0: i32) -> (i32, i32) {
    %c0_i32 = arith.constant 0 : i32
    %c0_i32_0 = arith.constant 0 : i32
    return %arg0, %c0_i32 : i32, i32
  }
  func.func @transform_7(%arg0: i32) -> (i32, i32) {
    %c0_i32 = arith.constant 0 : i32
    %c0_i32_0 = arith.constant 0 : i32
    %c0_i32_1 = arith.constant 0 : i32
    return %c0_i32, %c0_i32_0 : i32, i32
  }
  func.func @transform_8(%arg0: i32) -> (i32, i32) {
    %c0_i32 = arith.constant 0 : i32
    %c0_i32_0 = arith.constant 0 : i32
    %c0_i32_1 = arith.constant 0 : i32
    return %c0_i32, %c0_i32_0 : i32, i32
  }
  func.func @transform_9(%arg0: i32) -> (i32, i32) {
    %c0_i32 = arith.constant 0 : i32
    %c0_i32_0 = arith.constant 0 : i32
    %c0_i32_1 = arith.constant 0 : i32
    return %c0_i32, %c0_i32_0 : i32, i32
  }
  func.func @transform_10(%arg0: i32) -> i32 {
    %c0_i32 = arith.constant 0 : i32
    %c0_i32_0 = arith.constant 0 : i32
    return %c0_i32 : i32
  }
  func.func @transform_11(%arg0: i32) -> i32 {
    %c0_i32 = arith.constant 0 : i32
    %c0_i32_0 = arith.constant 0 : i32
    return %c0_i32 : i32
  }
  func.func @transform_12(%arg0: i32) -> (i32, i32) {
    %c0_i32 = arith.constant 0 : i32
    %c0_i32_0 = arith.constant 0 : i32
    %c0_i32_1 = arith.constant 0 : i32
    return %c0_i32, %c0_i32_0 : i32, i32
  }
  func.func @transform_13(%arg0: i32) -> (i32, i32) {
    %c0_i32 = arith.constant 0 : i32
    %c0_i32_0 = arith.constant 0 : i32
    %c0_i32_1 = arith.constant 0 : i32
    return %c0_i32, %c0_i32_0 : i32, i32
  }
}

</mosaic_0001>

<sc_bundles>
// kernel: kernel.6.cloned.1.call-start
scs
__scs_entry_jumppad:
0x0: {  	(pc) =	sbr.rel $0x88, $3  }
0x1: {  	(tag) =	ssettag $0x0;
	lr =	simm.s32 $0x1  }
0x2: {  	[smem:$0x3F93] =	sst lr;
	_ =	strace $0xD0000000  }
0x3: {  	_ = 	snop  }
0x4: {  	_ = 	snop  }
0x5: {  	_ = 	snop  }
0x6: {  	_ = 	snop  }
0x7: {  	_ = 	snop  }
__scs_overlays_trampoline_lowered:
0x8: {  	[smem:$0x3FA2] =	sst s0  }
0x9: {  	[smem:$0x3FA3] =	sst s1  }
0xa: {  	[smem:$0x3FA4] =	sst s2  }
0xb: {  	[smem:$0x3FA5] =	sst s3  }
0xc: {  	[smem:$0x3FA6] =	sst s4  }
0xd: {  	[smem:$0x3FA7] =	sst s5  }
0xe: {  	[smem:$0x3FA8] =	sst s6  }
0xf: {  	[smem:$0x3FA9] =	sst s7  }
0x10: {  	[smem:$0x3FAA] =	sst s8  }
0x11: {  	[smem:$0x3FAB] =	sst s9;
	s0 =	simm.s32 @!p0 $0x0  }
0x12: {  	s1 =	sld [smem:$0x3F91];
	s0 =	simm.s32 @p0 $0x1  }
0x13: {  	[smem:$0x3FAC] =	sst s0;
	s0 =	simm.s32 @!p1 $0x0  }
0x14: {  	s2 =	sld [smem:$0x3F90];
	s0 =	simm.s32 @p1 $0x1  }
0x15: {  	[smem:$0x3FAD] =	sst s0;
	s0 =	simm.s32 @!p2 $0x0  }
0x16: {  	s3 =	sld [smem:$0x3FDB];
	s0 =	simm.s32 @p2 $0x1  }
0x17: {  	s4 =	simm.s32 $0x1BF5;
	[smem:$0x3FAF] =	sst s0  }
0x18: {  	s0 =	sld [smem:$0x3F92];
	_ =	swait.ge [sflag:s4], $0x0  }
0x19: {  	s7 =	sld [smem:$0x3F93]  }
0x1a: {  	s8 =	sadd.s32 $0xFFFFE003, lr  }
0x1b: {  	s9 =	sadd.s32 $0xFFFFFEF7, lr;
	s5 =	simm.s32 $0xFFFFFFFF;
	p2 =	slt.u32 s8, $0xFFFFF086  }
0x1c: {  	p1 =	slt.u32 s9, $0xF7A;
	s5 =	simm.s32 @!p2 $0x0  }
0x1d: {  	s5 =	simm.s32 @p1 $0x1;
	p0 =	seq.s32 s7, s2  }
0x1e: {  	s7 =	smul.u32 @!p0 $0xF7A, s2;
	p2 =	seq.s32 @!p0 s5, $0x0  }
0x1f: {  	s9 =	smul.u32 $0xF7A, s1;
	s8 =	simm.s32 @!p0 $0x1BF5;
	p2 =	por !p2, p0  }
0x20: {  	[sflag:s8] =	ssyncset.s32 @!p0 $0xFFFFF086;
	s6 =	sadd.s32 @!p0 s3, s7;
	s7 =	simm.s32 @!p0 $0x108  }
0x21: {  	s3 =	sadd.s32 s3, s9;
	s6 =	sadd.s32 @!p0 $0x88, s6;
	s7 =	simm.s32 @p2 $0x1082  }
0x22: {  	[simem:s7], [sflag:s8] =	dma.local @!p0 [hbm:s6], $0xF7A  }
0x23: {  	s9 =	sor.u32 $0xD0000000, s2;
	s6 =	simm.s32 $0x108;
	_ =	swait.ge @!p0 [sflag:s8], $0x0  }
0x24: {  	s3 =	sadd.s32 $0x88, s3;
	s6 =	simm.s32 @!p1 $0x1082;
	[sflag:s4] =	ssyncset.s32 $0xFFFFF086  }
0x25: {  	[simem:s6], [sflag:s4] =	dma.local [hbm:s3], $0xF7A  }
0x26: {  	[smem:$0x3F93] =	sst s1;
	(tag) =	ssettag s2;
	_ =	strace s9  }
0x27: {  	s1 =	sld [smem:$0x3FA3]  }
0x28: {  	s2 =	sld [smem:$0x3FA4]  }
0x29: {  	s4 =	sld [smem:$0x3FA6]  }
0x2a: {  	p0 =	seq.s32 s5, $0x0;
	s5 =	sld [smem:$0x3FA7]  }
0x2b: {  	s6 =	sld [smem:$0x3FA8]  }
0x2c: {  	s7 =	sld [smem:$0x3FA9]  }
0x2d: {  	s3 =	simm.s32 $0x108;
	s8 =	sld [smem:$0x3FAA]  }
0x2e: {  	s3 =	simm.s32 @!p0 $0x1082;
	s9 =	sld [smem:$0x3FAB]  }
0x2f: {  	lr =	sadd.s32 s0, s3;
	s0 =	sld [smem:$0x3FA2]  }
0x30: {  	s3 =	sld [smem:$0x3FA5]  }
0x31: {  	[smem:$0x3FAE] =	sst s10  }
0x32: {  	s10 =	sld [smem:$0x3FAC];
	_ =	sdelay $0x3  }
0x33: {  	p0 =	seq.s32 s10, $0x1;
	s10 =	sld [smem:$0x3FAE];
	_ =	sdelay $0x3  }
0x34: {  	[smem:$0x3FAE] =	sst s10  }
0x35: {  	s10 =	sld [smem:$0x3FAD];
	_ =	sdelay $0x3  }
0x36: {  	p1 =	seq.s32 s10, $0x1;
	s10 =	sld [smem:$0x3FAE];
	_ =	sdelay $0x3  }
0x37: {  	[smem:$0x3FAE] =	sst s10  }
0x38: {  	s10 =	sld [smem:$0x3FAF]  }
0x39: {  	_ = 	snop;
	(pc) =	sbr.ind lr, $3  }
0x3a: {  	_ = 	snop  }
0x3b: {  	_ = 	snop  }
0x3c: {  	p2 =	seq.s32 s10, $0x1;
	s10 =	sld [smem:$0x3FAE]  }
0x3d: {  	_ =	shalt  }
0x3e: {  	_ =	shalt  }
0x3f: {  	_ =	shalt  }
0x40: {  	_ =	shalt  }
0x41: {  	_ =	shalt  }
0x42: {  	_ =	shalt  }
0x43: {  	_ =	shalt  }
0x44: {  	_ =	shalt  }
0x45: {  	_ =	shalt  }
0x46: {  	_ =	shalt  }
0x47: {  	_ =	shalt  }
0x48: {  	_ =	shalt  }
0x49: {  	_ =	shalt  }
0x4a: {  	_ =	shalt  }
0x4b: {  	_ =	shalt  }
0x4c: {  	_ =	shalt  }
0x4d: {  	_ =	shalt  }
0x4e: {  	_ =	shalt  }
0x4f: {  	_ =	shalt  }
0x50: {  	_ =	shalt  }
0x51: {  	_ =	shalt  }
0x52: {  	_ =	shalt  }
0x53: {  	_ =	shalt  }
0x54: {  	_ =	shalt  }
0x55: {  	_ =	shalt  }
0x56: {  	_ =	shalt  }
0x57: {  	_ =	shalt  }
0x58: {  	_ =	shalt  }
0x59: {  	_ =	shalt  }
0x5a: {  	_ =	shalt  }
0x5b: {  	_ =	shalt  }
0x5c: {  	_ =	shalt  }
0x5d: {  	_ =	shalt  }
0x5e: {  	_ =	shalt  }
0x5f: {  	_ =	shalt  }
0x60: {  	_ =	shalt  }
0x61: {  	_ =	shalt  }
0x62: {  	_ =	shalt  }
0x63: {  	_ =	shalt  }
0x64: {  	_ =	shalt  }
0x65: {  	_ =	shalt  }
0x66: {  	_ =	shalt  }
0x67: {  	_ =	shalt  }
0x68: {  	_ =	shalt  }
0x69: {  	_ =	shalt  }
0x6a: {  	_ =	shalt  }
0x6b: {  	_ =	shalt  }
0x6c: {  	_ =	shalt  }
0x6d: {  	_ =	shalt  }
0x6e: {  	_ =	shalt  }
0x6f: {  	_ =	shalt  }
0x70: {  	_ =	shalt  }
0x71: {  	_ =	shalt  }
0x72: {  	_ =	shalt  }
0x73: {  	_ =	shalt  }
0x74: {  	_ =	shalt  }
0x75: {  	_ =	shalt  }
0x76: {  	_ =	shalt  }
0x77: {  	_ =	shalt  }
0x78: {  	_ =	shalt  }
0x79: {  	_ =	shalt  }
0x7a: {  	_ =	shalt  }
0x7b: {  	_ =	shalt  }
0x7c: {  	_ =	shalt  }
0x7d: {  	_ =	shalt  }
0x7e: {  	_ =	shalt  }
0x7f: {  	_ =	shalt  }
0x80: {  	_ =	shalt  }
0x81: {  	_ =	shalt  }
0x82: {  	_ =	shalt  }
0x83: {  	_ =	shalt  }
0x84: {  	_ =	shalt  }
0x85: {  	_ =	shalt  }
0x86: {  	_ =	shalt  }
0x87: {  	_ =	shalt  }
.Lfunc_end0:
.L_simem_size_0:
called_computation_lowered:
.L_overlay_start_0:
0x88: {  	s2 =	sld [smem:$0x3FD9]  }
0x89: {  	s3 =	sld [smem:$0x3FFE];
	_ =	sdelay $0x1  }
0x8a: {  	s1 =	srdreg.scid  }
0x8b: {  	s0 =	sand.u32 $0x1, s1  }
0x8c: {  	s16 =	sshll.u32 s0, $0xA;
	s2 =	sadd.s32 s3, s2  }
0x8d: {  	s2 =	sadd.s32 s2, s16  }
0x8e: {  	[smem:$0x3FBA] =	sst s2  }
0x8f: {  	_ = 	snop  }
0x90: {  	(tm) =	ssettm $0x1  }
0x91: {  	s17 =	sld [smem:$0x3FFB];
	_ =	sdelay $0x3  }
0x92: {  	_ =	strace s17  }
0x93: {  	s2 =	sld [smem:$0x3FFC];
	_ =	sdelay $0x3  }
0x94: {  	_ =	strace s2  }
0x95: {  	s2 =	sld [smem:$0x3FFD];
	_ =	sdelay $0x3  }
0x96: {  	_ =	strace s2  }
0x97: {  	_ =	strace $0x8FFFFFFF  }
0x98: {  	s18 =	sld [smem:$0x3FDB];
	_ =	sdelay $0x1  }
0x99: {  	s19 =	simm.s32 $_scs_section_size  }
0x9a: {  	s4 =	simm.s32 $_size__tile_overlayer_lowered;
	s5 =	simm.s32 $_tile_overlayer_lowered  }
0x9b: {  	s22 =	simm.s32 $0x1BFF;
	s21 =	sshll.u32 s5, $0x1;
	s2 =	sadd.s32 s19, s18  }
0x9c: {  	s6 =	simm.s32 $0x0;
	s20 =	sshll.u32 s4, $0x1;
	s4 =	sadd.s32 s21, s2  }
0x9d: {  	[timem:s6], [sflag:s22] =	dma.local [hbm:s4], s20  }
0x9e: {  	_ =	swait.ge [sflag:s22], s20  }
0x9f: {  	s3 =	ssub.s32 $0x0, s20;
	[sflag:s22] =	ssyncset.done $0x0  }
0xa0: {  	[sflag:s22] =	ssyncadd.s32 s3;
	_ =	sdelay $0x1  }
0xa1: {  	s23 =	simm.s32 $0x1B8B  }
0xa2: {  	_ =	swait.ge [sflag:s23], $0x1  }
0xa3: {  	[sflag:s23] =	ssyncset.done $0x0  }
0xa4: {  	s25 =	simm.s32 $0x1B8E;
	s24 =	sld [smem:$0x3FFE];
	[sflag:s23] =	ssyncadd.s32 $0xFFFFFFFF  }
0xa5: {  	s26 =	simm.s32 $execute0_lowered;
	[smem:$0x3FD2] =	sst s25  }
0xa6: {  	s4 =	sshll.u32 s26, $0x1;
	_ =	strace $0x80000046;
	[dreg:$0x1] =	wrdreg $0xFFFFFFFF  }
0xa7: {  	s28 =	simm.s32 $_size_execute0_lowered;
	s2 =	sadd.s32 s2, s4;
	[dreg:$0x0] =	wrdreg $0x0  }
0xa8: {  	s4 =	sshll.u32 s28, $0x1;
	[dreg:$0x2] =	wrdreg s2  }
0xa9: {  	[dreg:$0x3] =	wrdreg s4  }
0xaa: {  	[dreg:$0x4] =	wrdreg $0xC0  }
0xab: {  	_ =	task [dreg:s6], $0x5FFFF  }
0xac: {  	[dreg:$0x1] =	wrdreg $0xFFFFFFFF  }
0xad: {  	[dreg:$0x0] =	wrdreg $0x60  }
0xae: {  	[dreg:$0x2] =	wrdreg s24  }
0xaf: {  	[dreg:$0x3] =	wrdreg $0x71000  }
0xb0: {  	[dreg:$0x4] =	wrdreg $0x9  }
0xb1: {  	_ =	task.clear_ibuf [dreg:s6], $0x5FFFF;
	_ =	strace $0x90000046  }
0xb2: {  	s29 =	simm.s32 $0x9;
	_ =	strace $0x80000048  }
0xb3: {  	_ =	swait.ge [sflag:s29], $0x1  }
0xb4: {  	[sflag:s29] =	ssyncadd.s32 $0xFFFFFFFF  }
0xb5: {  	_ =	strace $0x90000048  }
0xb6: {  	_ =	sfence  }
0xb7: {  	s30 =	sld [smem:$0x0];
	_ =	sdelay $0x2  }
0xb8: {  	s31 =	sshll.u32 s1, $0xD;
	s1 =	sshrl.u32 s1, $0x2  }
0xb9: {  	s3 =	sand.u32 $0x4000, s31;
	s1 =	sadd.s32 s1, s30  }
0xba: {  	s0 =	sor.u32 s3, s0;
	s1 =	sshll.u32 s1, $0x11  }
0xbb: {  	s0 =	sor.u32 s1, s0  }
0xbc: {  	s0 =	sadd.s32 $0x8F2B, s0  }
0xbd: {  	[sflag:s0] =	ssyncadd.remote.s32 $0x1  }
0xbe: {  	_ =	sfence.sel $0xFFFF  }
0xbf: {  	[dreg:$0x0] =	wrdreg $0xFFFFFFFF;
	(pc) =	sbr.abs _section_cstart, $3  }
0xc0: {  	[dreg:$0x1] =	wrdreg $0xFFFFFFFF  }
0xc1: {  	_ =	task.clear_ibuf [dreg:s6], $0x2FFFF;
	_ =	strace $0x9FFFFFFF  }
0xc2: {  	(tm) =	ssettm $0x7FFFFFFF  }
0xc3: {  	_ =	shalt  }
tec
execute0_lowered:
.L_overlay_start_1:
0x0: {  	(tag) =	ssettag $0x1  }
0x1: {  	s5 =	rddreg [dreg:$0x0]  }
0x2: {  	s2 =	rddreg [dreg:$0x1]  }
0x3: {  	s0 =	rddreg [dreg:$0x2]  }
0x4: {  	s4 =	srdreg.scid;
	s1 =	stileid.u32  }
0x5: {  	s3 =	simm.s32 $0x0;
	s10 =	simm.s32 $0x35E00;
	s11 =	simm.s32 $0x6400  }
0x6: {  	s12 =	simm.s32 $0x1;
	s13 =	simm.s32 $0x0;
	s4 =	sand.u32 $0x1, s4  }
0x7: {  	s6 =	sshll.u32 s1, $0x1;
	[smem:$0x7FF] =	sst s3;
	s9 =	smul.u32 $0xC40, s1  }
0x8: {  	s6 =	sor.u32 s4, s6;
	s7 =	ssub.s32 $0x2, s4;
	_ =	strace $0x80000047  }
0x9: {  	p0 =	seq.s32 s4, $0x1;
	s6 =	smul.u32 $0xC80, s6;
	s8 =	sshrl.u32 s7, $0x1  }
0xa: {  	s10 =	simm.s32 @!p0 $0x34400;
	s4 =	sadd.s32 s9, s2;
	s30 =	sshrl.u32 s9, $0x3  }
0xb: {  	s9 =	simm.s32 $0x2;
	s7 =	ssub.s32 s7, s8;
	s31 =	sadd.s32 s10, s5  }
0xc: {  	s8 =	simm.s32 $0x6480;
	s10 =	simm.s32 $0x80;
	s6 =	sadd.s32 s6, s5  }
0xd: {  	v0 =	vimm.f32 $1.000000000e+00;
	v1 =	vimm.f32 $0.0e+00;
	s5 =	sadd.s32 $0x1B400, s6;
	s6 =	smax.u32 s7, $0x1;
	s7 =	sadd.s32 s31, s30  }
.LBB2_1:
0xe: {  	[tilespmem:$0x6400] =	vst v0  }
0xf: {  	[tilespmem:$0x6410] =	vst v0  }
0x10: {  	[tilespmem:$0x6420] =	vst v0  }
0x11: {  	[tilespmem:$0x6430] =	vst v0  }
0x12: {  	[tilespmem:$0x6440] =	vst v0  }
0x13: {  	[tilespmem:$0x6450] =	vst v0  }
0x14: {  	[tilespmem:$0x6460] =	vst v0  }
0x15: {  	[tilespmem:$0x6470] =	vst v0;
	s14 =	simm.s32 $0x40;
	s15 =	simm.s32 $0x0  }
.LBB2_2:
0x16: {  	p0 =	sne.s32 s14, $0x30C0;
	[tilespmem:s15+$0x6480] =	vst v1;
	s15 =	smov.u32 s14;
	s14 =	sadd.s32 $0x40, s14  }
.Ltmp0:
0x17: {  	(pc) =	sbr.rel @p0 .LBB2_2-.Ltmp0, $2  }
0x18: {  	_ =	sdelay $0x2  }
0x19: {  	s15 =	sshra.s32 s15, $0x2  }
0x1a: {  	[tilespmem:s15+$0x6480] =	vst v1  }
0x1b: {  	[spmem:s4] =	stream.linear.scatter [tilespmem:s8], [sflag:$0x2], $0xC40, $0x38;
	[tilespmem:$0x7D40] =	vst v63  }
0x1c: {  	_ =	swait.ge [sflag:s9], $0xC40  }
0x1d: {  	[sflag:s9] =	ssyncset.done $0x0  }
0x1e: {  	s14 =	simm.s32 $0x0;
	[sflag:s9] =	ssyncadd.s32 $0xFFFFF3C0  }
0x1f: {  	[tilespmem:s14], [sflag:$0x2] =	stream.linear.gather [hbm4b:s5+s14], $0x6400, $0x38;
	[tilespmem:$0x7D40] =	vst v63  }
0x20: {  	_ =	swait.ge [sflag:s9], $0x6400  }
0x21: {  	[sflag:s9] =	ssyncset.done $0x0  }
0x22: {  	[sflag:s9] =	ssyncadd.s32 $0xFFFF9C00  }
0x23: {  	s23 =	simm.s32 $0x0;
	[bflag:$0x0] =	sbarrier.arrive $0xFFFF  }
0x24: {  	[spmem:s2] =	stream.indirect.scatter.add.f32 [tilespmem:s11], [sflag:$0x1], $0x1, s23, s10, $0xb8;
	[tilespmem:$0x7D40] =	vst v63  }
0x25: {  	s24 =	simm.s32 $0x80  }
0x26: {  	[spmem:s2] =	stream.indirect.scatter.add.f32 [tilespmem:s11], [sflag:$0x1], $0x1, s24, s10, $0xb8;
	[tilespmem:$0x7D40] =	vst v63  }
0x27: {  	s25 =	simm.s32 $0x100  }
0x28: {  	[spmem:s2] =	stream.indirect.scatter.add.f32 [tilespmem:s11], [sflag:$0x1], $0x1, s25, s10, $0xb8;
	[tilespmem:$0x7D40] =	vst v63  }
0x29: {  	s26 =	simm.s32 $0x180  }
0x2a: {  	[spmem:s2] =	stream.indirect.scatter.add.f32 [tilespmem:s11], [sflag:$0x1], $0x1, s26, s10, $0xb8;
	[tilespmem:$0x7D40] =	vst v63  }
0x2b: {  	s28 =	simm.s32 $0x200  }
0x2c: {  	[spmem:s2] =	stream.indirect.scatter.add.f32 [tilespmem:s11], [sflag:$0x1], $0x1, s28, s10, $0xb8;
	[tilespmem:$0x7D40] =	vst v63  }
0x2d: {  	s29 =	simm.s32 $0x280  }
0x2e: {  	[spmem:s2] =	stream.indirect.scatter.add.f32 [tilespmem:s11], [sflag:$0x1], $0x1, s29, s10, $0xb8;
	[tilespmem:$0x7D40] =	vst v63  }
0x2f: {  	s30 =	simm.s32 $0x300  }
0x30: {  	[spmem:s2] =	stream.indirect.scatter.add.f32 [tilespmem:s11], [sflag:$0x1], $0x1, s30, s10, $0xb8;
	[tilespmem:$0x7D40] =	vst v63  }
0x31: {  	s31 =	simm.s32 $0x380  }
0x32: {  	[spmem:s2] =	stream.indirect.scatter.add.f32 [tilespmem:s11], [sflag:$0x1], $0x1, s31, s10, $0xb8;
	[tilespmem:$0x7D40] =	vst v63  }
0x33: {  	_ =	swait.ge [sflag:s12], $0x80  }
0x34: {  	[sflag:s12] =	ssyncset.done $0x0  }
0x35: {  	[sflag:s12] =	ssyncadd.s32 $0xFFFFFF80  }
0x36: {  	_ =	swait.ge [sflag:s12], $0x80  }
0x37: {  	[sflag:s12] =	ssyncset.done $0x0  }
0x38: {  	[sflag:s12] =	ssyncadd.s32 $0xFFFFFF80  }
0x39: {  	_ =	swait.ge [sflag:s12], $0x80  }
0x3a: {  	[sflag:s12] =	ssyncset.done $0x0  }
0x3b: {  	[sflag:s12] =	ssyncadd.s32 $0xFFFFFF80  }
0x3c: {  	_ =	swait.ge [sflag:s12], $0x80  }
0x3d: {  	[sflag:s12] =	ssyncset.done $0x0  }
0x3e: {  	[sflag:s12] =	ssyncadd.s32 $0xFFFFFF80  }
0x3f: {  	_ =	swait.ge [sflag:s12], $0x80  }
0x40: {  	[sflag:s12] =	ssyncset.done $0x0  }
0x41: {  	[sflag:s12] =	ssyncadd.s32 $0xFFFFFF80  }
0x42: {  	_ =	swait.ge [sflag:s12], $0x80  }
0x43: {  	[sflag:s12] =	ssyncset.done $0x0  }
0x44: {  	[sflag:s12] =	ssyncadd.s32 $0xFFFFFF80  }
0x45: {  	_ =	swait.ge [sflag:s12], $0x80  }
0x46: {  	[sflag:s12] =	ssyncset.done $0x0  }
0x47: {  	[sflag:s12] =	ssyncadd.s32 $0xFFFFFF80  }
0x48: {  	_ =	swait.ge [sflag:s12], $0x80  }
0x49: {  	s16 =	simm.s32 $0x2000;
	s14 =	simm.s32 $0x1000;
	[sflag:s12] =	ssyncset.done $0x0  }
.LBB2_4:
0x4a: {  	s17 =	sshra.s32 s14, $0x2  }
0x4b: {  	[sflag:s12] =	ssyncadd.s32 $0xFFFFFF80;
	s14 =	smov.u32 s16;
	s15 =	sadd.s32 $0x1000, s16  }
0x4c: {  	[spmem:s2] =	stream.indirect.scatter.add.f32 [tilespmem:s11], [sflag:$0x1], $0x1, s17, s10, $0xb8;
	[tilespmem:$0x7D40] =	vst v63  }
0x4d: {  	p0 =	sne.s32 s16, $0x18000;
	s16 =	sadd.s32 $0x80, s17  }
0x4e: {  	[spmem:s2] =	stream.indirect.scatter.add.f32 [tilespmem:s11], [sflag:$0x1], $0x1, s16, s10, $0xb8;
	[tilespmem:$0x7D40] =	vst v63  }
0x4f: {  	s16 =	sadd.s32 $0x100, s17  }
0x50: {  	[spmem:s2] =	stream.indirect.scatter.add.f32 [tilespmem:s11], [sflag:$0x1], $0x1, s16, s10, $0xb8;
	[tilespmem:$0x7D40] =	vst v63  }
0x51: {  	s16 =	sadd.s32 $0x180, s17  }
0x52: {  	[spmem:s2] =	stream.indirect.scatter.add.f32 [tilespmem:s11], [sflag:$0x1], $0x1, s16, s10, $0xb8;
	[tilespmem:$0x7D40] =	vst v63  }
0x53: {  	s16 =	sadd.s32 $0x200, s17  }
0x54: {  	[spmem:s2] =	stream.indirect.scatter.add.f32 [tilespmem:s11], [sflag:$0x1], $0x1, s16, s10, $0xb8;
	[tilespmem:$0x7D40] =	vst v63  }
0x55: {  	s16 =	sadd.s32 $0x280, s17  }
0x56: {  	[spmem:s2] =	stream.indirect.scatter.add.f32 [tilespmem:s11], [sflag:$0x1], $0x1, s16, s10, $0xb8;
	[tilespmem:$0x7D40] =	vst v63  }
0x57: {  	s16 =	sadd.s32 $0x300, s17  }
0x58: {  	[spmem:s2] =	stream.indirect.scatter.add.f32 [tilespmem:s11], [sflag:$0x1], $0x1, s16, s10, $0xb8;
	[tilespmem:$0x7D40] =	vst v63  }
0x59: {  	s16 =	sadd.s32 $0x380, s17  }
0x5a: {  	[spmem:s2] =	stream.indirect.scatter.add.f32 [tilespmem:s11], [sflag:$0x1], $0x1, s16, s10, $0xb8;
	[tilespmem:$0x7D40] =	vst v63  }
0x5b: {  	_ =	swait.ge [sflag:s12], $0x80  }
0x5c: {  	[sflag:s12] =	ssyncset.done $0x0  }
0x5d: {  	[sflag:s12] =	ssyncadd.s32 $0xFFFFFF80  }
0x5e: {  	_ =	swait.ge [sflag:s12], $0x80  }
0x5f: {  	[sflag:s12] =	ssyncset.done $0x0  }
0x60: {  	[sflag:s12] =	ssyncadd.s32 $0xFFFFFF80  }
0x61: {  	_ =	swait.ge [sflag:s12], $0x80  }
0x62: {  	[sflag:s12] =	ssyncset.done $0x0  }
0x63: {  	[sflag:s12] =	ssyncadd.s32 $0xFFFFFF80  }
0x64: {  	_ =	swait.ge [sflag:s12], $0x80  }
0x65: {  	[sflag:s12] =	ssyncset.done $0x0  }
0x66: {  	[sflag:s12] =	ssyncadd.s32 $0xFFFFFF80  }
0x67: {  	_ =	swait.ge [sflag:s12], $0x80  }
0x68: {  	[sflag:s12] =	ssyncset.done $0x0  }
0x69: {  	[sflag:s12] =	ssyncadd.s32 $0xFFFFFF80  }
0x6a: {  	_ =	swait.ge [sflag:s12], $0x80  }
0x6b: {  	[sflag:s12] =	ssyncset.done $0x0  }
0x6c: {  	[sflag:s12] =	ssyncadd.s32 $0xFFFFFF80  }
.Ltmp1:
0x6d: {  	_ =	swait.ge [sflag:s12], $0x80;
	(pc) =	sbr.rel @p0 .LBB2_4-.Ltmp1, $4  }
0x6e: {  	[sflag:s12] =	ssyncset.done $0x0  }
0x6f: {  	[sflag:s12] =	ssyncadd.s32 $0xFFFFFF80  }
0x70: {  	_ =	swait.ge [sflag:s12], $0x80  }
0x71: {  	s16 =	smov.u32 s15;
	[sflag:s12] =	ssyncset.done $0x0  }
0x72: {  	s14 =	sshra.s32 s14, $0x2;
	[sflag:s12] =	ssyncadd.s32 $0xFFFFFF80  }
0x73: {  	[spmem:s2] =	stream.indirect.scatter.add.f32 [tilespmem:s11], [sflag:$0x1], $0x1, s14, s10, $0xb8;
	[tilespmem:$0x7D40] =	vst v63  }
0x74: {  	s15 =	sadd.s32 $0x80, s14  }
0x75: {  	[spmem:s2] =	stream.indirect.scatter.add.f32 [tilespmem:s11], [sflag:$0x1], $0x1, s15, s10, $0xb8;
	[tilespmem:$0x7D40] =	vst v63  }
0x76: {  	s26 =	sadd.s32 $0x100, s14  }
0x77: {  	[spmem:s2] =	stream.indirect.scatter.add.f32 [tilespmem:s11], [sflag:$0x1], $0x1, s26, s10, $0xb8;
	[tilespmem:$0x7D40] =	vst v63  }
0x78: {  	s28 =	sadd.s32 $0x180, s14  }
0x79: {  	[spmem:s2] =	stream.indirect.scatter.add.f32 [tilespmem:s11], [sflag:$0x1], $0x1, s28, s10, $0xb8;
	[tilespmem:$0x7D40] =	vst v63  }
0x7a: {  	s29 =	sadd.s32 $0x200, s14  }
0x7b: {  	[spmem:s2] =	stream.indirect.scatter.add.f32 [tilespmem:s11], [sflag:$0x1], $0x1, s29, s10, $0xb8;
	[tilespmem:$0x7D40] =	vst v63  }
0x7c: {  	s30 =	sadd.s32 $0x280, s14  }
0x7d: {  	[spmem:s2] =	stream.indirect.scatter.add.f32 [tilespmem:s11], [sflag:$0x1], $0x1, s30, s10, $0xb8;
	[tilespmem:$0x7D40] =	vst v63  }
0x7e: {  	s31 =	sadd.s32 $0x300, s14  }
0x7f: {  	[spmem:s2] =	stream.indirect.scatter.add.f32 [tilespmem:s11], [sflag:$0x1], $0x1, s31, s10, $0xb8;
	[tilespmem:$0x7D40] =	vst v63  }
0x80: {  	s14 =	sadd.s32 $0x380, s14  }
0x81: {  	[spmem:s2] =	stream.indirect.scatter.add.f32 [tilespmem:s11], [sflag:$0x1], $0x1, s14, s10, $0xb8;
	[tilespmem:$0x7D40] =	vst v63  }
0x82: {  	_ =	swait.ge [sflag:s12], $0x80  }
0x83: {  	[sflag:s12] =	ssyncset.done $0x0  }
0x84: {  	[sflag:s12] =	ssyncadd.s32 $0xFFFFFF80  }
0x85: {  	_ =	swait.ge [sflag:s12], $0x80  }
0x86: {  	[sflag:s12] =	ssyncset.done $0x0  }
0x87: {  	[sflag:s12] =	ssyncadd.s32 $0xFFFFFF80  }
0x88: {  	_ =	swait.ge [sflag:s12], $0x80  }
0x89: {  	[sflag:s12] =	ssyncset.done $0x0  }
0x8a: {  	[sflag:s12] =	ssyncadd.s32 $0xFFFFFF80  }
0x8b: {  	_ =	swait.ge [sflag:s12], $0x80  }
0x8c: {  	[sflag:s12] =	ssyncset.done $0x0  }
0x8d: {  	[sflag:s12] =	ssyncadd.s32 $0xFFFFFF80  }
0x8e: {  	_ =	swait.ge [sflag:s12], $0x80  }
0x8f: {  	[sflag:s12] =	ssyncset.done $0x0  }
0x90: {  	[sflag:s12] =	ssyncadd.s32 $0xFFFFFF80  }
0x91: {  	_ =	swait.ge [sflag:s12], $0x80  }
0x92: {  	[sflag:s12] =	ssyncset.done $0x0  }
0x93: {  	[sflag:s12] =	ssyncadd.s32 $0xFFFFFF80  }
0x94: {  	_ =	swait.ge [sflag:s12], $0x80  }
0x95: {  	[sflag:s12] =	ssyncset.done $0x0  }
0x96: {  	[sflag:s12] =	ssyncadd.s32 $0xFFFFFF80  }
0x97: {  	_ =	swait.ge [sflag:s12], $0x80  }
0x98: {  	[sflag:s12] =	ssyncset.done $0x0  }
0x99: {  	[sflag:s12] =	ssyncadd.s32 $0xFFFFFF80  }
0x9a: {  	[bflag:$0x0] =	sbarrier.arrive $0xFFFF  }
0x9b: {  	[tilespmem:s8], [sflag:$0x2] =	stream.linear.gather [spmem:s4], $0xC40, $0x38;
	[tilespmem:$0x7D40] =	vst v63  }
0x9c: {  	s13 =	sadd.s32 $0x1, s13;
	_ =	swait.ge [sflag:s9], $0xC40  }
0x9d: {  	p0 =	sne.s32 s13, s6;
	[sflag:s9] =	ssyncset.done $0x0  }
.Ltmp2:
0x9e: {  	[sflag:s9] =	ssyncadd.s32 $0xFFFFF3C0;
	(pc) =	sbr.rel @p0 .LBB2_1-.Ltmp2, $4  }
0x9f: {  	[hbm4b:s7+s3] =	stream.linear.scatter [tilespmem:s8], [sflag:$0x2], $0xC40, $0x38;
	[tilespmem:$0x7D40] =	vst v63  }
0xa0: {  	_ =	swait.ge [sflag:s9], $0xC40  }
0xa1: {  	[sflag:s9] =	ssyncset.done $0x0  }
0xa2: {  	[sflag:s9] =	ssyncadd.s32 $0xFFFFF3C0  }
0xa3: {  	_ =	sfence.sel $0x180000  }
0xa4: {  	[bflag:$0x0] =	sbarrier.arrive $0xFFFF  }
0xa5: {  	p0 =	sne.s32 s1, $0x0;
	_ =	strace $0x90000047  }
0xa6: {  	s0 =	sadd.s32 @!p0 $0x100000, s0;
	[bflag:$0x2] =	sbarrier.arrive $0xFFFF  }
0xa7: {  	[sflag:s0] =	ssyncadd.tile.s32 @!p0 $0x1;
	_ =	shalt  }
.Lfunc_end2:
_tile_overlayer_lowered:
.L_overlay_start_2:
0xa8: {  	(tag) =	ssettag $0x2  }
0xa9: {  	s0 =	rddreg [dreg:$0x0];
	s2 =	stileid.u32  }
0xaa: {  	s1 =	rddreg [dreg:$0x1];
	p0 =	sne.s32 s2, $0x0  }
0xab: {  	s3 =	rddreg [dreg:$0x2];
	[bflag:$0x3] =	sbarrier.arrive $0xFFFF;
	s2 =	simm.s32 @!p0 $0x1C02  }
0xac: {  	[timem:s3], [sflag:s2] =	dma.local @!p0 [hbm:s0], s1  }
0xad: {  	s0 =	simm.s32 @!p0 $0x2  }
0xae: {  	_ =	swait.ge @!p0 [sflag:s0], s1  }
0xaf: {  	s1 =	ssub.s32 @!p0 $0x0, s1;
	[sflag:s0] =	ssyncset.done @!p0 $0x0  }
0xb0: {  	[sflag:s0] =	ssyncadd.s32 @!p0 s1  }
0xb1: {  	[bflag:$0x3] =	sbarrier.arrive $0xFFFF  }
0xb2: {  	_ =	shalt  }

// kernel: kernel.9.cloned.1.call-start
scs
__scs_entry_jumppad:
0x0: {  	(pc) =	sbr.rel $0x88, $3  }
0x1: {  	(tag) =	ssettag $0x0;
	lr =	simm.s32 $0x1  }
0x2: {  	[smem:$0x3F93] =	sst lr;
	_ =	strace $0xD0000000  }
0x3: {  	_ = 	snop  }
0x4: {  	_ = 	snop  }
0x5: {  	_ = 	snop  }
0x6: {  	_ = 	snop  }
0x7: {  	_ = 	snop  }
__scs_overlays_trampoline_lowered:
0x8: {  	[smem:$0x3FA2] =	sst s0  }
0x9: {  	[smem:$0x3FA3] =	sst s1  }
0xa: {  	[smem:$0x3FA4] =	sst s2  }
0xb: {  	[smem:$0x3FA5] =	sst s3  }
0xc: {  	[smem:$0x3FA6] =	sst s4  }
0xd: {  	[smem:$0x3FA7] =	sst s5  }
0xe: {  	[smem:$0x3FA8] =	sst s6  }
0xf: {  	[smem:$0x3FA9] =	sst s7  }
0x10: {  	[smem:$0x3FAA] =	sst s8  }
0x11: {  	[smem:$0x3FAB] =	sst s9;
	s0 =	simm.s32 @!p0 $0x0  }
0x12: {  	s1 =	sld [smem:$0x3F91];
	s0 =	simm.s32 @p0 $0x1  }
0x13: {  	[smem:$0x3FAC] =	sst s0;
	s0 =	simm.s32 @!p1 $0x0  }
0x14: {  	s2 =	sld [smem:$0x3F90];
	s0 =	simm.s32 @p1 $0x1  }
0x15: {  	[smem:$0x3FAD] =	sst s0;
	s0 =	simm.s32 @!p2 $0x0  }
0x16: {  	s3 =	sld [smem:$0x3FDB];
	s0 =	simm.s32 @p2 $0x1  }
0x17: {  	s4 =	simm.s32 $0x1BF5;
	[smem:$0x3FAF] =	sst s0  }
0x18: {  	s0 =	sld [smem:$0x3F92];
	_ =	swait.ge [sflag:s4], $0x0  }
0x19: {  	s7 =	sld [smem:$0x3F93]  }
0x1a: {  	s8 =	sadd.s32 $0xFFFFE003, lr  }
0x1b: {  	s9 =	sadd.s32 $0xFFFFFEF7, lr;
	s5 =	simm.s32 $0xFFFFFFFF;
	p2 =	slt.u32 s8, $0xFFFFF086  }
0x1c: {  	p1 =	slt.u32 s9, $0xF7A;
	s5 =	simm.s32 @!p2 $0x0  }
0x1d: {  	s5 =	simm.s32 @p1 $0x1;
	p0 =	seq.s32 s7, s2  }
0x1e: {  	s7 =	smul.u32 @!p0 $0xF7A, s2;
	p2 =	seq.s32 @!p0 s5, $0x0  }
0x1f: {  	s9 =	smul.u32 $0xF7A, s1;
	s8 =	simm.s32 @!p0 $0x1BF5;
	p2 =	por !p2, p0  }
0x20: {  	[sflag:s8] =	ssyncset.s32 @!p0 $0xFFFFF086;
	s6 =	sadd.s32 @!p0 s3, s7;
	s7 =	simm.s32 @!p0 $0x108  }
0x21: {  	s3 =	sadd.s32 s3, s9;
	s6 =	sadd.s32 @!p0 $0x88, s6;
	s7 =	simm.s32 @p2 $0x1082  }
0x22: {  	[simem:s7], [sflag:s8] =	dma.local @!p0 [hbm:s6], $0xF7A  }
0x23: {  	s9 =	sor.u32 $0xD0000000, s2;
	s6 =	simm.s32 $0x108;
	_ =	swait.ge @!p0 [sflag:s8], $0x0  }
0x24: {  	s3 =	sadd.s32 $0x88, s3;
	s6 =	simm.s32 @!p1 $0x1082;
	[sflag:s4] =	ssyncset.s32 $0xFFFFF086  }
0x25: {  	[simem:s6], [sflag:s4] =	dma.local [hbm:s3], $0xF7A  }
0x26: {  	[smem:$0x3F93] =	sst s1;
	(tag) =	ssettag s2;
	_ =	strace s9  }
0x27: {  	s1 =	sld [smem:$0x3FA3]  }
0x28: {  	s2 =	sld [smem:$0x3FA4]  }
0x29: {  	s4 =	sld [smem:$0x3FA6]  }
0x2a: {  	p0 =	seq.s32 s5, $0x0;
	s5 =	sld [smem:$0x3FA7]  }
0x2b: {  	s6 =	sld [smem:$0x3FA8]  }
0x2c: {  	s7 =	sld [smem:$0x3FA9]  }
0x2d: {  	s3 =	simm.s32 $0x108;
	s8 =	sld [smem:$0x3FAA]  }
0x2e: {  	s3 =	simm.s32 @!p0 $0x1082;
	s9 =	sld [smem:$0x3FAB]  }
0x2f: {  	lr =	sadd.s32 s0, s3;
	s0 =	sld [smem:$0x3FA2]  }
0x30: {  	s3 =	sld [smem:$0x3FA5]  }
0x31: {  	[smem:$0x3FAE] =	sst s10  }
0x32: {  	s10 =	sld [smem:$0x3FAC];
	_ =	sdelay $0x3  }
0x33: {  	p0 =	seq.s32 s10, $0x1;
	s10 =	sld [smem:$0x3FAE];
	_ =	sdelay $0x3  }
0x34: {  	[smem:$0x3FAE] =	sst s10  }
0x35: {  	s10 =	sld [smem:$0x3FAD];
	_ =	sdelay $0x3  }
0x36: {  	p1 =	seq.s32 s10, $0x1;
	s10 =	sld [smem:$0x3FAE];
	_ =	sdelay $0x3  }
0x37: {  	[smem:$0x3FAE] =	sst s10  }
0x38: {  	s10 =	sld [smem:$0x3FAF]  }
0x39: {  	_ = 	snop;
	(pc) =	sbr.ind lr, $3  }
0x3a: {  	_ = 	snop  }
0x3b: {  	_ = 	snop  }
0x3c: {  	p2 =	seq.s32 s10, $0x1;
	s10 =	sld [smem:$0x3FAE]  }
0x3d: {  	_ =	shalt  }
0x3e: {  	_ =	shalt  }
0x3f: {  	_ =	shalt  }
0x40: {  	_ =	shalt  }
0x41: {  	_ =	shalt  }
0x42: {  	_ =	shalt  }
0x43: {  	_ =	shalt  }
0x44: {  	_ =	shalt  }
0x45: {  	_ =	shalt  }
0x46: {  	_ =	shalt  }
0x47: {  	_ =	shalt  }
0x48: {  	_ =	shalt  }
0x49: {  	_ =	shalt  }
0x4a: {  	_ =	shalt  }
0x4b: {  	_ =	shalt  }
0x4c: {  	_ =	shalt  }
0x4d: {  	_ =	shalt  }
0x4e: {  	_ =	shalt  }
0x4f: {  	_ =	shalt  }
0x50: {  	_ =	shalt  }
0x51: {  	_ =	shalt  }
0x52: {  	_ =	shalt  }
0x53: {  	_ =	shalt  }
0x54: {  	_ =	shalt  }
0x55: {  	_ =	shalt  }
0x56: {  	_ =	shalt  }
0x57: {  	_ =	shalt  }
0x58: {  	_ =	shalt  }
0x59: {  	_ =	shalt  }
0x5a: {  	_ =	shalt  }
0x5b: {  	_ =	shalt  }
0x5c: {  	_ =	shalt  }
0x5d: {  	_ =	shalt  }
0x5e: {  	_ =	shalt  }
0x5f: {  	_ =	shalt  }
0x60: {  	_ =	shalt  }
0x61: {  	_ =	shalt  }
0x62: {  	_ =	shalt  }
0x63: {  	_ =	shalt  }
0x64: {  	_ =	shalt  }
0x65: {  	_ =	shalt  }
0x66: {  	_ =	shalt  }
0x67: {  	_ =	shalt  }
0x68: {  	_ =	shalt  }
0x69: {  	_ =	shalt  }
0x6a: {  	_ =	shalt  }
0x6b: {  	_ =	shalt  }
0x6c: {  	_ =	shalt  }
0x6d: {  	_ =	shalt  }
0x6e: {  	_ =	shalt  }
0x6f: {  	_ =	shalt  }
0x70: {  	_ =	shalt  }
0x71: {  	_ =	shalt  }
0x72: {  	_ =	shalt  }
0x73: {  	_ =	shalt  }
0x74: {  	_ =	shalt  }
0x75: {  	_ =	shalt  }
0x76: {  	_ =	shalt  }
0x77: {  	_ =	shalt  }
0x78: {  	_ =	shalt  }
0x79: {  	_ =	shalt  }
0x7a: {  	_ =	shalt  }
0x7b: {  	_ =	shalt  }
0x7c: {  	_ =	shalt  }
0x7d: {  	_ =	shalt  }
0x7e: {  	_ =	shalt  }
0x7f: {  	_ =	shalt  }
0x80: {  	_ =	shalt  }
0x81: {  	_ =	shalt  }
0x82: {  	_ =	shalt  }
0x83: {  	_ =	shalt  }
0x84: {  	_ =	shalt  }
0x85: {  	_ =	shalt  }
0x86: {  	_ =	shalt  }
0x87: {  	_ =	shalt  }
.Lfunc_end0:
.L_simem_size_0:
called_computation.1_lowered:
.L_overlay_start_0:
0x88: {  	s2 =	sld [smem:$0x3FD9]  }
0x89: {  	s3 =	sld [smem:$0x3FFE];
	_ =	sdelay $0x1  }
0x8a: {  	s1 =	srdreg.scid  }
0x8b: {  	s0 =	sand.u32 $0x1, s1  }
0x8c: {  	s16 =	sshll.u32 s0, $0xA;
	s2 =	sadd.s32 s3, s2  }
0x8d: {  	s2 =	sadd.s32 s2, s16  }
0x8e: {  	[smem:$0x3FBA] =	sst s2  }
0x8f: {  	_ = 	snop  }
0x90: {  	(tm) =	ssettm $0x1  }
0x91: {  	s17 =	sld [smem:$0x3FFB];
	_ =	sdelay $0x3  }
0x92: {  	_ =	strace s17  }
0x93: {  	s2 =	sld [smem:$0x3FFC];
	_ =	sdelay $0x3  }
0x94: {  	_ =	strace s2  }
0x95: {  	s2 =	sld [smem:$0x3FFD];
	_ =	sdelay $0x3  }
0x96: {  	_ =	strace s2  }
0x97: {  	_ =	strace $0x8FFFFFFF  }
0x98: {  	s18 =	sld [smem:$0x3FDB];
	_ =	sdelay $0x1  }
0x99: {  	s19 =	simm.s32 $_scs_section_size  }
0x9a: {  	s4 =	simm.s32 $_size__tile_overlayer_lowered;
	s5 =	simm.s32 $_tile_overlayer_lowered  }
0x9b: {  	s22 =	simm.s32 $0x1BFF;
	s21 =	sshll.u32 s5, $0x1;
	s2 =	sadd.s32 s19, s18  }
0x9c: {  	s6 =	simm.s32 $0x0;
	s20 =	sshll.u32 s4, $0x1;
	s4 =	sadd.s32 s21, s2  }
0x9d: {  	[timem:s6], [sflag:s22] =	dma.local [hbm:s4], s20  }
0x9e: {  	_ =	swait.ge [sflag:s22], s20  }
0x9f: {  	s3 =	ssub.s32 $0x0, s20;
	[sflag:s22] =	ssyncset.done $0x0  }
0xa0: {  	[sflag:s22] =	ssyncadd.s32 s3;
	_ =	sdelay $0x1  }
0xa1: {  	s23 =	simm.s32 $0x1B8B  }
0xa2: {  	_ =	swait.ge [sflag:s23], $0x1  }
0xa3: {  	[sflag:s23] =	ssyncset.done $0x0  }
0xa4: {  	s25 =	simm.s32 $0x1B8E;
	s24 =	sld [smem:$0x3FFE];
	[sflag:s23] =	ssyncadd.s32 $0xFFFFFFFF  }
0xa5: {  	s26 =	simm.s32 $execute0_lowered;
	[smem:$0x3FD2] =	sst s25  }
0xa6: {  	s4 =	sshll.u32 s26, $0x1;
	_ =	strace $0x80000049;
	[dreg:$0x1] =	wrdreg $0xFFFFFFFF  }
0xa7: {  	s28 =	simm.s32 $_size_execute0_lowered;
	s2 =	sadd.s32 s2, s4;
	[dreg:$0x0] =	wrdreg $0x0  }
0xa8: {  	s4 =	sshll.u32 s28, $0x1;
	[dreg:$0x2] =	wrdreg s2  }
0xa9: {  	[dreg:$0x3] =	wrdreg s4  }
0xaa: {  	[dreg:$0x4] =	wrdreg $0xC0  }
0xab: {  	_ =	task [dreg:s6], $0x5FFFF  }
0xac: {  	[dreg:$0x1] =	wrdreg $0xFFFFFFFF  }
0xad: {  	[dreg:$0x0] =	wrdreg $0x60  }
0xae: {  	[dreg:$0x2] =	wrdreg s24  }
0xaf: {  	[dreg:$0x3] =	wrdreg $0x48000  }
0xb0: {  	[dreg:$0x4] =	wrdreg $0x9  }
0xb1: {  	_ =	task.clear_ibuf [dreg:s6], $0x5FFFF;
	_ =	strace $0x90000049  }
0xb2: {  	s29 =	simm.s32 $0x9;
	_ =	strace $0x8000004B  }
0xb3: {  	_ =	swait.ge [sflag:s29], $0x1  }
0xb4: {  	[sflag:s29] =	ssyncadd.s32 $0xFFFFFFFF  }
0xb5: {  	_ =	strace $0x9000004B  }
0xb6: {  	_ =	sfence  }
0xb7: {  	s30 =	sld [smem:$0x0];
	_ =	sdelay $0x2  }
0xb8: {  	s31 =	sshll.u32 s1, $0xD;
	s1 =	sshrl.u32 s1, $0x2  }
0xb9: {  	s3 =	sand.u32 $0x4000, s31;
	s1 =	sadd.s32 s1, s30  }
0xba: {  	s0 =	sor.u32 s3, s0;
	s1 =	sshll.u32 s1, $0x11  }
0xbb: {  	s0 =	sor.u32 s1, s0  }
0xbc: {  	s0 =	sadd.s32 $0x8F2B, s0  }
0xbd: {  	[sflag:s0] =	ssyncadd.remote.s32 $0x1  }
0xbe: {  	_ =	sfence.sel $0xFFFF  }
0xbf: {  	[dreg:$0x0] =	wrdreg $0xFFFFFFFF;
	(pc) =	sbr.abs _section_cstart, $3  }
0xc0: {  	[dreg:$0x1] =	wrdreg $0xFFFFFFFF  }
0xc1: {  	_ =	task.clear_ibuf [dreg:s6], $0x2FFFF;
	_ =	strace $0x9FFFFFFF  }
0xc2: {  	(tm) =	ssettm $0x7FFFFFFF  }
0xc3: {  	_ =	shalt  }
tec
execute0_lowered:
.L_overlay_start_1:
0x0: {  	(tag) =	ssettag $0x1  }
0x1: {  	s9 =	rddreg [dreg:$0x0]  }
0x2: {  	s1 =	rddreg [dreg:$0x1]  }
0x3: {  	s0 =	rddreg [dreg:$0x2];
	s2 =	simm.s32 $0x0  }
0x4: {  	s3 =	srdreg.scid;
	s13 =	simm.s32 $0xC7400;
	s15 =	simm.s32 $0x80  }
0x5: {  	s16 =	simm.s32 $0x1;
	s17 =	simm.s32 $0x3800;
	s18 =	simm.s32 $0x2  }
0x6: {  	s19 =	simm.s32 $0x1480;
	s20 =	simm.s32 $0x3;
	s21 =	simm.s32 $0x100  }
0x7: {  	s22 =	simm.s32 $0x4;
	s23 =	simm.s32 $0x6;
	s24 =	simm.s32 $0x6  }
0x8: {  	s25 =	simm.s32 $0x0;
	[smem:$0x7FF] =	sst s2;
	s4 =	sadd.s32 $0x65400, s9  }
0x9: {  	s5 =	sadd.s32 $0x34400, s9;
	s10 =	sand.u32 $0x1, s3;
	s3 =	stileid.u32  }
0xa: {  	s6 =	sadd.s32 $0x2400, s9;
	s7 =	sadd.s32 $0x1B400, s9;
	s8 =	smul.u32 $0x190, s3  }
0xb: {  	_ =	strace $0x8000004A;
	s11 =	ssub.s32 $0x2, s10;
	s14 =	smul.u32 $0x62000, s3  }
0xc: {  	p1 =	seq.s32 s10, $0x0;
	s30 =	smul.u32 $0x3100, s3;
	p0 =	seq.s32 s10, $0x1  }
0xd: {  	s12 =	sshrl.u32 s11, $0x1;
	s13 =	simm.s32 @!p1 $0x96400;
	s23 =	simm.s32 @!p1 $0x5  }
0xe: {  	s11 =	ssub.s32 s11, s12;
	s13 =	sadd.s32 s13, s9;
	s31 =	sshrl.u32 s14, $0x2  }
0xf: {  	s12 =	simm.s32 $0x2800;
	s14 =	simm.s32 $0x1400;
	s9 =	smax.u32 s11, $0x1  }
0x10: {  	v0 =	vimm.f32 $0.0e+00;
	s10 =	sadd.s32 s31, s1;
	s11 =	sadd.s32 s30, s13;
	s13 =	simm.s32 $0x5  }
.LBB2_1:
0x11: {  	s26 =	simm.s32 $0x0  }
.LBB2_2:
0x12: {  	p1 =	sne.s32 s26, $0x3F80  }
.Ltmp0:
0x13: {  	_ = 	snop;
	(pc) =	sbr.rel @p1 .LBB2_2-.Ltmp0, $4  }
0x14: {  	_ = 	snop  }
0x15: {  	s28 =	sshra.s32 s26, $0x2  }
0x16: {  	[tilespmem:s28+$0x2800] =	vst v0  }
0x17: {  	s26 =	sadd.s32 $0x80, s26;
	[tilespmem:s28+$0x2810] =	vst v0  }
0x18: {  	s26 =	sadd.s32 $0x0, s10  }
0x19: {  	[spmem:s26] =	stream.linear.scatter [tilespmem:s12], [sflag:$0x5], $0xE00, $0x38;
	[tilespmem:$0x1D000] =	vst v63  }
0x1a: {  	s26 =	simm.s32 $0x3800;
	_ =	swait.ge [sflag:s13], $0xE00  }
.LBB2_4:
0x1b: {  	s28 =	sshra.s32 s26, $0x2;
	[sflag:s13] =	ssyncset.done $0x0;
	p1 =	sne.s32 s26, $0x5E800  }
.Ltmp1:
0x1c: {  	s28 =	sadd.s32 s28, s10;
	[sflag:s13] =	ssyncadd.s32 $0xFFFFF200;
	(pc) =	sbr.rel @p1 .LBB2_4-.Ltmp1, $3  }
0x1d: {  	[spmem:s28] =	stream.linear.scatter [tilespmem:s12], [sflag:$0x5], $0xE00, $0x38;
	[tilespmem:$0x1D000] =	vst v63  }
0x1e: {  	s26 =	sadd.s32 $0x3800, s26;
	_ =	sdelay $0x1  }
0x1f: {  	_ =	swait.ge [sflag:s13], $0xE00  }
.Ltmp2:
0x20: {  	(pc) =	sbr.rel .LBB2_6-.Ltmp2, $4  }
0x21: {  	[sflag:s13] =	ssyncset.done $0x0  }
0x22: {  	[sflag:s13] =	ssyncadd.s32 $0xFFFFF200  }
0x23: {  	[bflag:$0x0] =	sbarrier.arrive $0xFFFF  }
0x24: {  	s26 =	simm.s32 $0x0  }
.LBB2_13:
0x25: {  	s26 =	sadd.s32 $0x1, s26  }
0x26: {  	p1 =	sne.s32 s26, $0xA  }
.Ltmp3:
0x27: {  	_ = 	snop;
	(pc) =	sbr.rel @!p1 .LBB2_14-.Ltmp3, $4  }
0x28: {  	_ = 	snop  }
0x29: {  	_ =	swait.ge [sflag:s22], $0x1000  }
0x2a: {  	[sflag:s22] =	ssyncset.done $0x0  }
0x2b: {  	[sflag:s22] =	ssyncadd.s32 $0xFFFFF000  }
.LBB2_6:
0x2c: {  	s28 =	smul.u32 $0x28, s26;
	_ =	sdelay $0x1  }
0x2d: {  	s28 =	sadd.s32 s8, s28  }
0x2e: {  	s28 =	sshll.u32 s28, $0x4  }
0x2f: {  	s29 =	sadd.s32 s6, s28  }
0x30: {  	[tilespmem:s2], [sflag:$0x5] =	stream.linear.gather [hbm4b:s29+s2], $0x1400, $0x38;
	[tilespmem:$0x1D000] =	vst v63  }
0x31: {  	_ =	swait.ge [sflag:s13], $0x1400  }
0x32: {  	[sflag:s13] =	ssyncset.done $0x0  }
.Ltmp4:
0x33: {  	s28 =	sadd.s32 s7, s28;
	[sflag:s13] =	ssyncadd.s32 $0xFFFFEC00;
	(pc) =	sbr.rel @!p0 .LBB2_7-.Ltmp4, $4  }
0x34: {  	[tilespmem:s14], [sflag:$0x5] =	stream.linear.gather [hbm4b:s28+s2], $0x1400, $0x38;
	[tilespmem:$0x1D000] =	vst v63  }
0x35: {  	_ =	swait.ge [sflag:s13], $0x1400  }
0x36: {  	[sflag:s13] =	ssyncset.done $0x0  }
0x37: {  	[sflag:s13] =	ssyncadd.s32 $0xFFFFEC00  }
0x38: {  	[tilespmem:s12], [sflag:$0x1] =	stream.indirect.gather [hbm4b:s5+s15], $0x20, s2, s15, $0xb8;
	[tilespmem:$0x1D000] =	vst v63  }
0x39: {  	_ =	swait.ge [sflag:s16], $0x1000  }
0x3a: {  	[sflag:s16] =	ssyncset.done $0x0  }
0x3b: {  	[sflag:s16] =	ssyncadd.s32 $0xFFFFF000  }
0x3c: {  	[spmem:s1] =	stream.indirect.scatter.add.f32 [tilespmem:s12], [sflag:$0x3], $0x20, s14, s15, $0xb8;
	[tilespmem:$0x1D000] =	vst v63  }
0x3d: {  	_ = 	snop  }
0x3e: {  	[tilespmem:s17], [sflag:$0x2] =	stream.indirect.gather [hbm4b:s5+s15], $0x20, s15, s15, $0xb8;
	[tilespmem:$0x1D000] =	vst v63  }
0x3f: {  	_ =	swait.ge [sflag:s18], $0x1000  }
0x40: {  	[sflag:s18] =	ssyncset.done $0x0  }
0x41: {  	[sflag:s18] =	ssyncadd.s32 $0xFFFFF000  }
0x42: {  	[spmem:s1] =	stream.indirect.scatter.add.f32 [tilespmem:s17], [sflag:$0x4], $0x20, s19, s15, $0xb8;
	[tilespmem:$0x1D000] =	vst v63  }
0x43: {  	_ =	swait.ge [sflag:s20], $0x1000  }
0x44: {  	[sflag:s20] =	ssyncset.done $0x0  }
0x45: {  	s28 =	simm.s32 $0xFFFFB800;
	[sflag:s20] =	ssyncadd.s32 $0xFFFFF000  }
0x46: {  	[tilespmem:s12], [sflag:$0x1] =	stream.indirect.gather [hbm4b:s5+s15], $0x20, s21, s15, $0xb8;
	[tilespmem:$0x1D000] =	vst v63  }
.LBB2_11:
0x47: {  	_ =	swait.ge [sflag:s16], $0x1000  }
0x48: {  	s29 =	sshra.s32 s28, $0x2;
	[sflag:s16] =	ssyncset.done $0x0  }
0x49: {  	s30 =	sadd.s32 $0x2700, s29;
	[sflag:s16] =	ssyncadd.s32 $0xFFFFF000  }
0x4a: {  	[spmem:s1] =	stream.indirect.scatter.add.f32 [tilespmem:s12], [sflag:$0x3], $0x20, s30, s15, $0xb8;
	[tilespmem:$0x1D000] =	vst v63  }
0x4b: {  	_ =	swait.ge [sflag:s22], $0x1000  }
0x4c: {  	[sflag:s22] =	ssyncset.done $0x0  }
0x4d: {  	s31 =	sadd.s32 $0x1380, s29;
	[sflag:s22] =	ssyncadd.s32 $0xFFFFF000  }
0x4e: {  	[tilespmem:s17], [sflag:$0x2] =	stream.indirect.gather [hbm4b:s5+s15], $0x20, s31, s15, $0xb8;
	[tilespmem:$0x1D000] =	vst v63  }
0x4f: {  	_ =	swait.ge [sflag:s18], $0x1000  }
0x50: {  	p1 =	seq.s32 s28, $0x0;
	[sflag:s18] =	ssyncset.done $0x0  }
.Ltmp5:
0x51: {  	s31 =	sadd.s32 $0x2780, s29;
	[sflag:s18] =	ssyncadd.s32 $0xFFFFF000;
	(pc) =	sbr.rel @p1 .LBB2_13-.Ltmp5, $4  }
0x52: {  	[spmem:s1] =	stream.indirect.scatter.add.f32 [tilespmem:s17], [sflag:$0x4], $0x20, s31, s15, $0xb8;
	[tilespmem:$0x1D000] =	vst v63  }
0x53: {  	_ =	swait.ge [sflag:s20], $0x1000  }
0x54: {  	[sflag:s20] =	ssyncset.done $0x0  }
0x55: {  	[sflag:s20] =	ssyncadd.s32 $0xFFFFF000  }
.Ltmp6:
0x56: {  	(pc) =	sbr.rel .LBB2_11-.Ltmp6, $3  }
0x57: {  	_ =	sdelay $0x1  }
0x58: {  	s29 =	sadd.s32 $0x1400, s29;
	s28 =	sadd.s32 $0x400, s28  }
0x59: {  	[tilespmem:s12], [sflag:$0x1] =	stream.indirect.gather [hbm4b:s5+s15], $0x20, s29, s15, $0xb8;
	[tilespmem:$0x1D000] =	vst v63  }
.LBB2_7:
0x5a: {  	[tilespmem:s12], [sflag:$0x1] =	stream.indirect.gather [hbm4b:s4+s15], $0x20, s2, s15, $0xb8;
	[tilespmem:$0x1D000] =	vst v63  }
0x5b: {  	_ =	swait.ge [sflag:s16], $0x1000  }
0x5c: {  	[sflag:s16] =	ssyncset.done $0x0  }
0x5d: {  	[sflag:s16] =	ssyncadd.s32 $0xFFFFF000  }
0x5e: {  	[spmem:s1] =	stream.indirect.scatter.add.f32 [tilespmem:s12], [sflag:$0x3], $0x20, s14, s15, $0xb8;
	[tilespmem:$0x1D000] =	vst v63  }
0x5f: {  	_ = 	snop  }
0x60: {  	[tilespmem:s17], [sflag:$0x2] =	stream.indirect.gather [hbm4b:s4+s15], $0x20, s15, s15, $0xb8;
	[tilespmem:$0x1D000] =	vst v63  }
0x61: {  	_ =	swait.ge [sflag:s18], $0x1000  }
0x62: {  	[sflag:s18] =	ssyncset.done $0x0  }
0x63: {  	[sflag:s18] =	ssyncadd.s32 $0xFFFFF000  }
0x64: {  	[spmem:s1] =	stream.indirect.scatter.add.f32 [tilespmem:s17], [sflag:$0x4], $0x20, s19, s15, $0xb8;
	[tilespmem:$0x1D000] =	vst v63  }
0x65: {  	_ =	swait.ge [sflag:s20], $0x1000  }
0x66: {  	[sflag:s20] =	ssyncset.done $0x0  }
0x67: {  	s28 =	simm.s32 $0xFFFFB800;
	[sflag:s20] =	ssyncadd.s32 $0xFFFFF000  }
0x68: {  	[tilespmem:s12], [sflag:$0x1] =	stream.indirect.gather [hbm4b:s4+s15], $0x20, s21, s15, $0xb8;
	[tilespmem:$0x1D000] =	vst v63  }
.LBB2_8:
0x69: {  	_ =	swait.ge [sflag:s16], $0x1000  }
0x6a: {  	s29 =	sshra.s32 s28, $0x2;
	[sflag:s16] =	ssyncset.done $0x0  }
0x6b: {  	s30 =	sadd.s32 $0x2700, s29;
	[sflag:s16] =	ssyncadd.s32 $0xFFFFF000  }
0x6c: {  	[spmem:s1] =	stream.indirect.scatter.add.f32 [tilespmem:s12], [sflag:$0x3], $0x20, s30, s15, $0xb8;
	[tilespmem:$0x1D000] =	vst v63  }
0x6d: {  	_ =	swait.ge [sflag:s22], $0x1000  }
0x6e: {  	[sflag:s22] =	ssyncset.done $0x0  }
0x6f: {  	s31 =	sadd.s32 $0x1380, s29;
	[sflag:s22] =	ssyncadd.s32 $0xFFFFF000  }
0x70: {  	[tilespmem:s17], [sflag:$0x2] =	stream.indirect.gather [hbm4b:s4+s15], $0x20, s31, s15, $0xb8;
	[tilespmem:$0x1D000] =	vst v63  }
0x71: {  	_ =	swait.ge [sflag:s18], $0x1000  }
0x72: {  	p1 =	seq.s32 s28, $0x0;
	[sflag:s18] =	ssyncset.done $0x0  }
.Ltmp7:
0x73: {  	s31 =	sadd.s32 $0x2780, s29;
	[sflag:s18] =	ssyncadd.s32 $0xFFFFF000;
	(pc) =	sbr.rel @p1 .LBB2_13-.Ltmp7, $4  }
0x74: {  	[spmem:s1] =	stream.indirect.scatter.add.f32 [tilespmem:s17], [sflag:$0x4], $0x20, s31, s15, $0xb8;
	[tilespmem:$0x1D000] =	vst v63  }
0x75: {  	_ =	swait.ge [sflag:s20], $0x1000  }
0x76: {  	[sflag:s20] =	ssyncset.done $0x0  }
0x77: {  	[sflag:s20] =	ssyncadd.s32 $0xFFFFF000  }
.Ltmp8:
0x78: {  	(pc) =	sbr.rel .LBB2_8-.Ltmp8, $3  }
0x79: {  	_ =	sdelay $0x1  }
0x7a: {  	s29 =	sadd.s32 $0x1400, s29;
	s28 =	sadd.s32 $0x400, s28  }
0x7b: {  	[tilespmem:s12], [sflag:$0x1] =	stream.indirect.gather [hbm4b:s4+s15], $0x20, s29, s15, $0xb8;
	[tilespmem:$0x1D000] =	vst v63  }
.LBB2_14:
0x7c: {  	[bflag:$0x0] =	sbarrier.arrive $0xFFFF  }
0x7d: {  	[tilespmem:s17], [sflag:$0x6] =	stream.linear.gather [spmem:s10], $0x800, $0x38;
	[tilespmem:$0x1D000] =	vst v63  }
0x7e: {  	_ =	swait.ge [sflag:s24], $0x800  }
0x7f: {  	[sflag:s24] =	ssyncset.done $0x0  }
0x80: {  	s26 =	sadd.s32 $0x0, s11;
	[sflag:s24] =	ssyncadd.s32 $0xFFFFF800  }
0x81: {  	[hbm4b:s26+s2] =	stream.linear.scatter [tilespmem:s17], [sflag:s23], $0x800, $0x38;
	[tilespmem:$0x1D000] =	vst v63  }
0x82: {  	_ =	swait.ge [sflag:s23], $0x800  }
0x83: {  	s28 =	smov.u32 s10;
	s26 =	simm.s32 $0x100;
	[sflag:s23] =	ssyncset.done $0x0  }
.LBB2_15:
0x84: {  	p1 =	sne.s32 s26, $0x3000;
	[sflag:s23] =	ssyncadd.s32 $0xFFFFF800;
	s28 =	sadd.s32 $0x800, s28  }
0x85: {  	[tilespmem:s17], [sflag:$0x6] =	stream.linear.gather [spmem:s28], $0x800, $0x38;
	[tilespmem:$0x1D000] =	vst v63  }
0x86: {  	s29 =	smov.u32 s26;
	s26 =	sadd.s32 $0x100, s26;
	_ =	swait.ge [sflag:s24], $0x800  }
.Ltmp9:
0x87: {  	[sflag:s24] =	ssyncset.done $0x0;
	(pc) =	sbr.rel @p1 .LBB2_15-.Ltmp9, $4  }
0x88: {  	s29 =	sadd.s32 s29, s11;
	[sflag:s24] =	ssyncadd.s32 $0xFFFFF800  }
0x89: {  	[hbm4b:s29+s2] =	stream.linear.scatter [tilespmem:s17], [sflag:s23], $0x800, $0x38;
	[tilespmem:$0x1D000] =	vst v63  }
0x8a: {  	_ =	swait.ge [sflag:s23], $0x800  }
0x8b: {  	[sflag:s23] =	ssyncset.done $0x0  }
0x8c: {  	s25 =	sadd.s32 $0x1, s25  }
0x8d: {  	p1 =	sne.s32 s25, s9  }
.Ltmp10:
0x8e: {  	_ = 	snop;
	(pc) =	sbr.rel @p1 .LBB2_1-.Ltmp10, $2  }
0x8f: {  	_ =	sdelay $0x2  }
0x90: {  	[sflag:s23] =	ssyncadd.s32 $0xFFFFF800  }
0x91: {  	_ =	sfence.sel $0x180000  }
0x92: {  	[bflag:$0x0] =	sbarrier.arrive $0xFFFF  }
0x93: {  	p0 =	sne.s32 s3, $0x0;
	_ =	strace $0x9000004A  }
0x94: {  	s0 =	sadd.s32 @!p0 $0x100000, s0;
	[bflag:$0x2] =	sbarrier.arrive $0xFFFF  }
0x95: {  	[sflag:s0] =	ssyncadd.tile.s32 @!p0 $0x1;
	_ =	shalt  }
.Lfunc_end2:
_tile_overlayer_lowered:
.L_overlay_start_2:
0x96: {  	(tag) =	ssettag $0x2  }
0x97: {  	s0 =	rddreg [dreg:$0x0];
	s2 =	stileid.u32  }
0x98: {  	s1 =	rddreg [dreg:$0x1];
	p0 =	sne.s32 s2, $0x0  }
0x99: {  	s3 =	rddreg [dreg:$0x2];
	[bflag:$0x3] =	sbarrier.arrive $0xFFFF;
	s2 =	simm.s32 @!p0 $0x1C05  }
0x9a: {  	[timem:s3], [sflag:s2] =	dma.local @!p0 [hbm:s0], s1  }
0x9b: {  	s0 =	simm.s32 @!p0 $0x5  }
0x9c: {  	_ =	swait.ge @!p0 [sflag:s0], s1  }
0x9d: {  	s1 =	ssub.s32 @!p0 $0x0, s1;
	[sflag:s0] =	ssyncset.done @!p0 $0x0  }
0x9e: {  	[sflag:s0] =	ssyncadd.s32 @!p0 s1  }
0x9f: {  	[bflag:$0x3] =	sbarrier.arrive $0xFFFF  }
0xa0: {  	_ =	shalt  }

</sc_bundles>
